<compile_context>
chip_gen: v7x
topology: tpu7x:2x2x1
jax: 0.10.2.dev20260603
libtpu: 0.0.44.dev20260713+nightly
codegen_flags: <defaults>
</compile_context>

<pallas_src>
import functools

import jax
import jax.numpy as jnp
from jax import lax
from jax.experimental import pallas as pl
from jax.experimental.pallas import tpu as pltpu
from jax.experimental.pallas import tpu_sc as plsc

EPS = 1e-15
NC = 2
NS = 16
NW = NC * NS
LANES = 16


def _sc_dots(z, srcs, dsts, *, chunk, interpret=False):
    n, d = z.shape
    (e_total,) = srcs.shape
    assert e_total % NW == 0
    e_per_w = e_total // NW
    assert e_per_w % (2 * chunk) == 0 and chunk % LANES == 0 and chunk % 8 == 0
    assert chunk <= 128
    n_pairs = e_per_w // (2 * chunk)
    n_groups = chunk // LANES

    mesh = plsc.VectorSubcoreMesh(core_axis_name="c", subcore_axis_name="s",
                                  num_cores=NC, num_subcores=NS)

    @functools.partial(
        pl.kernel,
        out_type=jax.ShapeDtypeStruct((e_total,), jnp.float32),
        mesh=mesh,
        interpret=interpret,
        compiler_params=pltpu.CompilerParams(
            use_tc_tiling_on_sc=False, needs_layout_passes=False),
        scratch_types=[
            pltpu.VMEM((e_per_w,), jnp.int32),
            pltpu.VMEM((e_per_w,), jnp.int32),
            pltpu.VMEM((2, chunk, d), jnp.bfloat16),
            pltpu.VMEM((2, chunk, d), jnp.bfloat16),
            pltpu.VMEM((2, chunk), jnp.float32),
            pltpu.SemaphoreType.DMA((2,)),
            pltpu.SemaphoreType.DMA((2,)),
        ],
    )
    def k(z_hbm, src_hbm, dst_hbm, out_hbm, src_idx, dst_idx, src_rows,
          dst_rows, dots, gsem, ssem):
        wid = lax.axis_index("s") * NC + lax.axis_index("c")
        wbase = wid * e_per_w
        lanes = lax.iota(jnp.int32, LANES)

        pltpu.sync_copy(src_hbm.at[pl.ds(wbase, e_per_w)], src_idx)
        pltpu.sync_copy(dst_hbm.at[pl.ds(wbase, e_per_w)], dst_idx)

        def issue(g, slot):
            sl = pl.ds(g * chunk, chunk)
            pltpu.async_copy(z_hbm.at[src_idx.at[sl]], src_rows.at[slot],
                             gsem.at[slot])
            pltpu.async_copy(z_hbm.at[dst_idx.at[sl]], dst_rows.at[slot],
                             gsem.at[slot])

        def wait_gathers(slot):
            pltpu.make_async_copy(z_hbm.at[pl.ds(0, chunk)],
                                  src_rows.at[slot], gsem.at[slot]).wait()
            pltpu.make_async_copy(z_hbm.at[pl.ds(0, chunk)],
                                  dst_rows.at[slot], gsem.at[slot]).wait()

        def drain_scatter(slot):
            pltpu.make_async_copy(out_hbm.at[pl.ds(0, chunk)],
                                  dots.at[slot], ssem.at[slot]).wait()

        def compute(g, slot):
            sref = src_rows.at[slot]
            dref = dst_rows.at[slot]

            rots = [((lanes + sh) % LANES).astype(jnp.int32)
                    for sh in (8, 4, 2, 1)]
            lane0 = lanes == 0

            @plsc.parallel_loop(0, chunk, unroll=4)
            def _edge(e):
                prods = []
                for c in range(d // (2 * LANES)):
                    sl = pl.ds(c * 2 * LANES, 2 * LANES)
                    pr = sref[e, sl] * dref[e, sl]
                    pa, pb = plsc.unpack(pr,
                                         format=plsc.PackFormat.INTERLEAVED)
                    prods.append(pa)
                    prods.append(pb)
                while len(prods) > 1:
                    prods = [prods[i] + prods[i + 1]
                             for i in range(0, len(prods), 2)]
                t = prods[0]
                for r in rots:
                    t = t + jnp.take_along_axis(t, r, axis=0)
                idx = jnp.full((LANES,), e, jnp.int32)
                plsc.store_scatter(dots.at[slot], [idx], t, mask=lane0)

            pltpu.async_copy(dots.at[slot],
                             out_hbm.at[pl.ds(wbase + g * chunk, chunk)],
                             ssem.at[slot])

        issue(0, 0)
        issue(1, 1)

        def pair(i, _):
            a = 2 * i
            wait_gathers(0)

            @pl.when(i > 0)
            def _():
                drain_scatter(0)

            compute(a, 0)

            @pl.when(i < n_pairs - 1)
            def _():
                issue(a + 2, 0)

            wait_gathers(1)

            @pl.when(i > 0)
            def _():
                drain_scatter(1)

            compute(a + 1, 1)

            @pl.when(i < n_pairs - 1)
            def _():
                issue(a + 3, 1)

            return 0

        lax.fori_loop(0, n_pairs, pair, 0)
        drain_scatter(0)
        drain_scatter(1)

    return k(z, srcs, dsts)


def _tc_loss(dots, e_pos, *, interpret=False):
    (e_total,) = dots.shape
    assert e_total == 2 * e_pos and e_pos % 128 == 0
    rows = e_pos // 128
    d3 = dots.reshape(2, rows, 128)
    inv = 1.0 / e_pos

    def body(d_ref, out_ref):
        p_pos = jax.nn.sigmoid(d_ref[0])
        p_neg = jax.nn.sigmoid(d_ref[1])
        q = jnp.maximum(1.0 - p_neg, 0.0)
        t = -jnp.log(p_pos + EPS) - jnp.log(q + EPS)
        out_ref[0, 0] = jnp.sum(t) * inv

    out = pl.pallas_call(
        body,
        out_specs=pl.BlockSpec(memory_space=pltpu.SMEM),
        out_shape=jax.ShapeDtypeStruct((1, 1), jnp.float32),
        interpret=interpret,
    )(d3)
    return out[0, 0]


def kernel(z, pos_edge_index, neg_edge_index, *, interpret=False):
    e_pos = pos_edge_index.shape[1]
    srcs = jnp.concatenate([pos_edge_index[0], neg_edge_index[0]])
    dsts = jnp.concatenate([pos_edge_index[1], neg_edge_index[1]])
    e_total = srcs.shape[0]
    e_per_w = e_total // NW
    chunk = 80 if e_per_w % 160 == 0 else e_per_w
    dots = _sc_dots(z.astype(jnp.bfloat16), srcs, dsts, chunk=chunk,
                    interpret=interpret)
    return _tc_loss(dots, e_pos, interpret=interpret)

# --- scband reference (transcript-rebuilt; emitter-appended) ---
"""Pipeline reference for scband-gae-54924041781473 (READ-ONLY COPY).

The authoritative reference and input builder live on the scoring server;
editing this copy changes nothing except your own understanding.
"""

import jax, jax.numpy as jnp
import numpy as np

EPS = 1e-15

def setup_inputs(seed: int = 0) -> dict:
    key = jax.random.key(seed)
    k1, k2, k3 = jax.random.split(key, 3)
    N, d, E = 10000, 128, 320000
    z = jax.random.normal(k1, (N, d), dtype=jnp.float32)
    pos_edge_index = jax.random.randint(k2, (2, E), 0, N, dtype=jnp.int32)
    neg_edge_index = jax.random.randint(k3, (2, E), 0, N, dtype=jnp.int32)
    return {"z": z, "pos_edge_index": pos_edge_index, "neg_edge_index": neg_edge_index}

def _inner_product_decode(z, edge_index, sigmoid=True):
    # InnerProductDecoder: (z[src] * z[dst]).sum(-1), optionally sigmoid
    src = jnp.take(z, edge_index[0], axis=0)
    dst = jnp.take(z, edge_index[1], axis=0)
    value = jnp.sum(src * dst, axis=1)
    return jax.nn.sigmoid(value) if sigmoid else value

def reference(z, pos_edge_index, neg_edge_index):
    # GAE.recon_loss with hub_aware=False, nclid_aware=False, neg_edge_index provided
    pos_pred = _inner_product_decode(z, pos_edge_index, sigmoid=True)
    pos_loss = -jnp.log(pos_pred + EPS).mean()
    # remove_self_loops/add_self_loops only influence negative_sampling,
    # which is skipped because neg_edge_index is provided.
    neg_pred = _inner_product_decode(z, neg_edge_index, sigmoid=True)
    neg_loss = -jnp.log(1 - neg_pred + EPS).mean()
    return pos_loss + neg_loss

if __name__ == "__main__":
    import jax
    _d = setup_inputs()
    print(jax.jit(kernel)(*tuple(_d.values())))

</pallas_src>

<mosaic_0001>
#map = affine_map<(d0, d1) -> (0, 0)>
#map1 = affine_map<(d0, d1) -> (0)>
module attributes {stable_mosaic.version = 14 : i64} {
  func.func @k(%arg0: i32, %arg1: i32, %arg2: memref<10000x128xbf16, #tpu.memory_space<hbm>>, %arg3: memref<640000xi32, #tpu.memory_space<hbm>>, %arg4: memref<640000xi32, #tpu.memory_space<hbm>>, %arg5: memref<640000xf32, #tpu.memory_space<hbm>>, %arg6: memref<20000xi32, #tpu.memory_space<vmem>>, %arg7: memref<20000xi32, #tpu.memory_space<vmem>>, %arg8: memref<2x80x128xbf16, #tpu.memory_space<vmem>>, %arg9: memref<2x80x128xbf16, #tpu.memory_space<vmem>>, %arg10: memref<2x80xf32, #tpu.memory_space<vmem>>, %arg11: memref<2x!tpu.dma_semaphore, #tpu.memory_space<semaphore_mem>>, %arg12: memref<2x!tpu.dma_semaphore, #tpu.memory_space<semaphore_mem>>) attributes {dimension_semantics = [#tpu.dimension_semantics<core_parallel>, #tpu.dimension_semantics<subcore_parallel>], iteration_bounds = array<i64: 2, 16>, scalar_prefetch = 0 : i64, scratch_operands = 7 : i64, tpu.core_type = #tpu.core_type<sc_vector_subcore>, window_params = [{transform_indices = #map}, {transform_indices = #map1}, {transform_indices = #map1}, {transform_indices = #map1}]} {
    %mul3A = arith.constant 2 : i32
    %mul3A_0 = arith.muli %arg1, %mul3A : i32
    %add3A = arith.addi %mul3A_0, %arg0 : i32
    %mul3A_1 = arith.constant 20000 : i32
    %mul3A_2 = arith.muli %add3A, %mul3A_1 : i32
    %iota3A = tpu.iota {dimensions = array<i32: 0>} : vector<16xi32>
    "tpu.region"() ({
      %run_scoped3A = tpu.sem_alloc : memref<!tpu.dma_semaphore, #tpu.memory_space<semaphore_mem>>
      %dma_start3A_87 = tpu.memref_slice %arg3[%mul3A_2] : memref<640000xi32, #tpu.memory_space<hbm>> -> memref<20000xi32, #tpu.memory_space<hbm>>
      %dma_start3A_88 = tpu.memref_slice %arg3[%mul3A_2] : memref<640000xi32, #tpu.memory_space<hbm>> -> memref<20000xi32, #tpu.memory_space<hbm>>
      tpu.enqueue_dma source(%dma_start3A_88 : memref<20000xi32, #tpu.memory_space<hbm>>) target(%arg6 : memref<20000xi32, #tpu.memory_space<vmem>>) target_semaphore(%run_scoped3A : memref<!tpu.dma_semaphore, #tpu.memory_space<semaphore_mem>>)
      %dma_wait3A_89 = tpu.memref_slice %arg3[%mul3A_2] : memref<640000xi32, #tpu.memory_space<hbm>> -> memref<20000xi32, #tpu.memory_space<hbm>>
      %dma_wait3A_90 = tpu.memref_slice %arg3[%mul3A_2] : memref<640000xi32, #tpu.memory_space<hbm>> -> memref<20000xi32, #tpu.memory_space<hbm>>
      tpu.wait_dma2 semaphore(%run_scoped3A : memref<!tpu.dma_semaphore, #tpu.memory_space<semaphore_mem>>) src(%dma_wait3A_90 : memref<20000xi32, #tpu.memory_space<hbm>>) dst(%arg6 : memref<20000xi32, #tpu.memory_space<vmem>>)
      tpu.yield
    }) : () -> ()
    "tpu.region"() ({
      %run_scoped3A = tpu.sem_alloc : memref<!tpu.dma_semaphore, #tpu.memory_space<semaphore_mem>>
      %dma_start3A_87 = tpu.memref_slice %arg4[%mul3A_2] : memref<640000xi32, #tpu.memory_space<hbm>> -> memref<20000xi32, #tpu.memory_space<hbm>>
      %dma_start3A_88 = tpu.memref_slice %arg4[%mul3A_2] : memref<640000xi32, #tpu.memory_space<hbm>> -> memref<20000xi32, #tpu.memory_space<hbm>>
      tpu.enqueue_dma source(%dma_start3A_88 : memref<20000xi32, #tpu.memory_space<hbm>>) target(%arg7 : memref<20000xi32, #tpu.memory_space<vmem>>) target_semaphore(%run_scoped3A : memref<!tpu.dma_semaphore, #tpu.memory_space<semaphore_mem>>)
      %dma_wait3A_89 = tpu.memref_slice %arg4[%mul3A_2] : memref<640000xi32, #tpu.memory_space<hbm>> -> memref<20000xi32, #tpu.memory_space<hbm>>
      %dma_wait3A_90 = tpu.memref_slice %arg4[%mul3A_2] : memref<640000xi32, #tpu.memory_space<hbm>> -> memref<20000xi32, #tpu.memory_space<hbm>>
      tpu.wait_dma2 semaphore(%run_scoped3A : memref<!tpu.dma_semaphore, #tpu.memory_space<semaphore_mem>>) src(%dma_wait3A_90 : memref<20000xi32, #tpu.memory_space<hbm>>) dst(%arg7 : memref<20000xi32, #tpu.memory_space<vmem>>)
      tpu.yield
    }) : () -> ()
    %dma_start3A = arith.constant 0 : i32
    %dma_start3A_3 = arith.constant 0 : i32
    %dma_start3A_4 = arith.constant 0 : i32
    %dma_start3A_5 = arith.constant 0 : i32
    %dma_start3A_6 = tpu.memref_slice %arg8[%dma_start3A, %dma_start3A_4, %dma_start3A_5] : memref<2x80x128xbf16, #tpu.memory_space<vmem>> -> memref<1x80x128xbf16, #tpu.memory_space<vmem>>
    %dma_start3A_7 = tpu.memref_squeeze %dma_start3A_6 : memref<1x80x128xbf16, #tpu.memory_space<vmem>> -> memref<80x128xbf16, #tpu.memory_space<vmem>>
    %dma_start3A_8 = arith.constant 0 : i32
    %dma_start3A_9 = tpu.memref_slice %arg6[%dma_start3A_8] : memref<20000xi32, #tpu.memory_space<vmem>> -> memref<80xi32, #tpu.memory_space<vmem>>
    %dma_start3A_10 = arith.constant 0 : i32
    %dma_start3A_11 = arith.constant 0 : i32
    %dma_start3A_12 = tpu.memref_slice %arg2[%dma_start3A_10, %dma_start3A_11] : memref<10000x128xbf16, #tpu.memory_space<hbm>> -> memref<10000x128xbf16, #tpu.memory_space<hbm>>
    %dma_start3A_13 = tpu.memref_slice %arg11[%dma_start3A_3] : memref<2x!tpu.dma_semaphore, #tpu.memory_space<semaphore_mem>> -> memref<1x!tpu.dma_semaphore, #tpu.memory_space<semaphore_mem>>
    %dma_start3A_14 = tpu.memref_squeeze %dma_start3A_13 : memref<1x!tpu.dma_semaphore, #tpu.memory_space<semaphore_mem>> -> memref<!tpu.dma_semaphore, #tpu.memory_space<semaphore_mem>>
    tpu.enqueue_indirect_dma source(%dma_start3A_12 : memref<10000x128xbf16, #tpu.memory_space<hbm>>) target(%dma_start3A_7 : memref<80x128xbf16, #tpu.memory_space<vmem>>) offsets(%dma_start3A_9 : memref<80xi32, #tpu.memory_space<vmem>>) semaphore(%dma_start3A_14 : memref<!tpu.dma_semaphore, #tpu.memory_space<semaphore_mem>>)
    %dma_start3A_15 = arith.constant 0 : i32
    %dma_start3A_16 = arith.constant 0 : i32
    %dma_start3A_17 = arith.constant 0 : i32
    %dma_start3A_18 = arith.constant 0 : i32
    %dma_start3A_19 = tpu.memref_slice %arg9[%dma_start3A_15, %dma_start3A_17, %dma_start3A_18] : memref<2x80x128xbf16, #tpu.memory_space<vmem>> -> memref<1x80x128xbf16, #tpu.memory_space<vmem>>
    %dma_start3A_20 = tpu.memref_squeeze %dma_start3A_19 : memref<1x80x128xbf16, #tpu.memory_space<vmem>> -> memref<80x128xbf16, #tpu.memory_space<vmem>>
    %dma_start3A_21 = arith.constant 0 : i32
    %dma_start3A_22 = tpu.memref_slice %arg7[%dma_start3A_21] : memref<20000xi32, #tpu.memory_space<vmem>> -> memref<80xi32, #tpu.memory_space<vmem>>
    %dma_start3A_23 = arith.constant 0 : i32
    %dma_start3A_24 = arith.constant 0 : i32
    %dma_start3A_25 = tpu.memref_slice %arg2[%dma_start3A_23, %dma_start3A_24] : memref<10000x128xbf16, #tpu.memory_space<hbm>> -> memref<10000x128xbf16, #tpu.memory_space<hbm>>
    %dma_start3A_26 = tpu.memref_slice %arg11[%dma_start3A_16] : memref<2x!tpu.dma_semaphore, #tpu.memory_space<semaphore_mem>> -> memref<1x!tpu.dma_semaphore, #tpu.memory_space<semaphore_mem>>
    %dma_start3A_27 = tpu.memref_squeeze %dma_start3A_26 : memref<1x!tpu.dma_semaphore, #tpu.memory_space<semaphore_mem>> -> memref<!tpu.dma_semaphore, #tpu.memory_space<semaphore_mem>>
    tpu.enqueue_indirect_dma source(%dma_start3A_25 : memref<10000x128xbf16, #tpu.memory_space<hbm>>) target(%dma_start3A_20 : memref<80x128xbf16, #tpu.memory_space<vmem>>) offsets(%dma_start3A_22 : memref<80xi32, #tpu.memory_space<vmem>>) semaphore(%dma_start3A_27 : memref<!tpu.dma_semaphore, #tpu.memory_space<semaphore_mem>>)
    %dma_start3A_28 = arith.constant 1 : i32
    %dma_start3A_29 = arith.constant 1 : i32
    %dma_start3A_30 = arith.constant 0 : i32
    %dma_start3A_31 = arith.constant 0 : i32
    %dma_start3A_32 = tpu.memref_slice %arg8[%dma_start3A_28, %dma_start3A_30, %dma_start3A_31] : memref<2x80x128xbf16, #tpu.memory_space<vmem>> -> memref<1x80x128xbf16, #tpu.memory_space<vmem>>
    %dma_start3A_33 = tpu.memref_squeeze %dma_start3A_32 : memref<1x80x128xbf16, #tpu.memory_space<vmem>> -> memref<80x128xbf16, #tpu.memory_space<vmem>>
    %dma_start3A_34 = arith.constant 80 : i32
    %dma_start3A_35 = tpu.memref_slice %arg6[%dma_start3A_34] : memref<20000xi32, #tpu.memory_space<vmem>> -> memref<80xi32, #tpu.memory_space<vmem>>
    %dma_start3A_36 = arith.constant 0 : i32
    %dma_start3A_37 = arith.constant 0 : i32
    %dma_start3A_38 = tpu.memref_slice %arg2[%dma_start3A_36, %dma_start3A_37] : memref<10000x128xbf16, #tpu.memory_space<hbm>> -> memref<10000x128xbf16, #tpu.memory_space<hbm>>
    %dma_start3A_39 = tpu.memref_slice %arg11[%dma_start3A_29] : memref<2x!tpu.dma_semaphore, #tpu.memory_space<semaphore_mem>> -> memref<1x!tpu.dma_semaphore, #tpu.memory_space<semaphore_mem>>
    %dma_start3A_40 = tpu.memref_squeeze %dma_start3A_39 : memref<1x!tpu.dma_semaphore, #tpu.memory_space<semaphore_mem>> -> memref<!tpu.dma_semaphore, #tpu.memory_space<semaphore_mem>>
    tpu.enqueue_indirect_dma source(%dma_start3A_38 : memref<10000x128xbf16, #tpu.memory_space<hbm>>) target(%dma_start3A_33 : memref<80x128xbf16, #tpu.memory_space<vmem>>) offsets(%dma_start3A_35 : memref<80xi32, #tpu.memory_space<vmem>>) semaphore(%dma_start3A_40 : memref<!tpu.dma_semaphore, #tpu.memory_space<semaphore_mem>>)
    %dma_start3A_41 = arith.constant 1 : i32
    %dma_start3A_42 = arith.constant 1 : i32
    %dma_start3A_43 = arith.constant 0 : i32
    %dma_start3A_44 = arith.constant 0 : i32
    %dma_start3A_45 = tpu.memref_slice %arg9[%dma_start3A_41, %dma_start3A_43, %dma_start3A_44] : memref<2x80x128xbf16, #tpu.memory_space<vmem>> -> memref<1x80x128xbf16, #tpu.memory_space<vmem>>
    %dma_start3A_46 = tpu.memref_squeeze %dma_start3A_45 : memref<1x80x128xbf16, #tpu.memory_space<vmem>> -> memref<80x128xbf16, #tpu.memory_space<vmem>>
    %dma_start3A_47 = arith.constant 80 : i32
    %dma_start3A_48 = tpu.memref_slice %arg7[%dma_start3A_47] : memref<20000xi32, #tpu.memory_space<vmem>> -> memref<80xi32, #tpu.memory_space<vmem>>
    %dma_start3A_49 = arith.constant 0 : i32
    %dma_start3A_50 = arith.constant 0 : i32
    %dma_start3A_51 = tpu.memref_slice %arg2[%dma_start3A_49, %dma_start3A_50] : memref<10000x128xbf16, #tpu.memory_space<hbm>> -> memref<10000x128xbf16, #tpu.memory_space<hbm>>
    %dma_start3A_52 = tpu.memref_slice %arg11[%dma_start3A_42] : memref<2x!tpu.dma_semaphore, #tpu.memory_space<semaphore_mem>> -> memref<1x!tpu.dma_semaphore, #tpu.memory_space<semaphore_mem>>
    %dma_start3A_53 = tpu.memref_squeeze %dma_start3A_52 : memref<1x!tpu.dma_semaphore, #tpu.memory_space<semaphore_mem>> -> memref<!tpu.dma_semaphore, #tpu.memory_space<semaphore_mem>>
    tpu.enqueue_indirect_dma source(%dma_start3A_51 : memref<10000x128xbf16, #tpu.memory_space<hbm>>) target(%dma_start3A_46 : memref<80x128xbf16, #tpu.memory_space<vmem>>) offsets(%dma_start3A_48 : memref<80xi32, #tpu.memory_space<vmem>>) semaphore(%dma_start3A_53 : memref<!tpu.dma_semaphore, #tpu.memory_space<semaphore_mem>>)
    %scan3A = arith.constant 0 : i32
    %scan3A_54 = arith.constant 0 : i32
    %scan3A_55 = arith.constant 125 : i32
    %scan3A_56 = arith.addi %scan3A_54, %scan3A_55 : i32
    %scan3A_57 = arith.constant 1 : i32
    %scan3A_58 = scf.for %scan3A_87 = %scan3A_54 to %scan3A_56 step %scan3A_57 iter_args(%scan3A_88 = %scan3A) -> (i32)  : i32 {
      %mul3A_89 = arith.constant 2 : i32
      %mul3A_90 = arith.muli %mul3A_89, %scan3A_87 : i32
      %dma_wait3A_91 = arith.constant 0 : i32
      %dma_wait3A_92 = arith.constant 0 : i32
      %dma_wait3A_93 = arith.constant 0 : i32
      %dma_wait3A_94 = arith.constant 0 : i32
      %dma_wait3A_95 = tpu.memref_slice %arg8[%dma_wait3A_91, %dma_wait3A_93, %dma_wait3A_94] : memref<2x80x128xbf16, #tpu.memory_space<vmem>> -> memref<1x80x128xbf16, #tpu.memory_space<vmem>>
      %dma_wait3A_96 = tpu.memref_squeeze %dma_wait3A_95 : memref<1x80x128xbf16, #tpu.memory_space<vmem>> -> memref<80x128xbf16, #tpu.memory_space<vmem>>
      %dma_wait3A_97 = arith.constant 0 : i32
      %dma_wait3A_98 = arith.constant 0 : i32
      %dma_wait3A_99 = tpu.memref_slice %arg2[%dma_wait3A_97, %dma_wait3A_98] : memref<10000x128xbf16, #tpu.memory_space<hbm>> -> memref<80x128xbf16, #tpu.memory_space<hbm>>
      %dma_wait3A_100 = tpu.memref_slice %arg11[%dma_wait3A_92] : memref<2x!tpu.dma_semaphore, #tpu.memory_space<semaphore_mem>> -> memref<1x!tpu.dma_semaphore, #tpu.memory_space<semaphore_mem>>
      %dma_wait3A_101 = tpu.memref_squeeze %dma_wait3A_100 : memref<1x!tpu.dma_semaphore, #tpu.memory_space<semaphore_mem>> -> memref<!tpu.dma_semaphore, #tpu.memory_space<semaphore_mem>>
      %dma_wait3A_102 = arith.constant 0 : i32
      %dma_wait3A_103 = arith.constant 0 : i32
      %dma_wait3A_104 = tpu.memref_slice %arg8[%dma_wait3A_91, %dma_wait3A_102, %dma_wait3A_103] : memref<2x80x128xbf16, #tpu.memory_space<vmem>> -> memref<1x80x128xbf16, #tpu.memory_space<vmem>>
      %dma_wait3A_105 = tpu.memref_squeeze %dma_wait3A_104 : memref<1x80x128xbf16, #tpu.memory_space<vmem>> -> memref<80x128xbf16, #tpu.memory_space<vmem>>
      %dma_wait3A_106 = arith.constant 0 : i32
      %dma_wait3A_107 = arith.constant 0 : i32
      %dma_wait3A_108 = tpu.memref_slice %arg2[%dma_wait3A_106, %dma_wait3A_107] : memref<10000x128xbf16, #tpu.memory_space<hbm>> -> memref<80x128xbf16, #tpu.memory_space<hbm>>
      tpu.wait_dma2 semaphore(%dma_wait3A_101 : memref<!tpu.dma_semaphore, #tpu.memory_space<semaphore_mem>>) src(%dma_wait3A_108 : memref<80x128xbf16, #tpu.memory_space<hbm>>) dst(%dma_wait3A_105 : memref<80x128xbf16, #tpu.memory_space<vmem>>)
      %dma_wait3A_109 = arith.constant 0 : i32
      %dma_wait3A_110 = arith.constant 0 : i32
      %dma_wait3A_111 = arith.constant 0 : i32
      %dma_wait3A_112 = arith.constant 0 : i32
      %dma_wait3A_113 = tpu.memref_slice %arg9[%dma_wait3A_109, %dma_wait3A_111, %dma_wait3A_112] : memref<2x80x128xbf16, #tpu.memory_space<vmem>> -> memref<1x80x128xbf16, #tpu.memory_space<vmem>>
      %dma_wait3A_114 = tpu.memref_squeeze %dma_wait3A_113 : memref<1x80x128xbf16, #tpu.memory_space<vmem>> -> memref<80x128xbf16, #tpu.memory_space<vmem>>
      %dma_wait3A_115 = arith.constant 0 : i32
      %dma_wait3A_116 = arith.constant 0 : i32
      %dma_wait3A_117 = tpu.memref_slice %arg2[%dma_wait3A_115, %dma_wait3A_116] : memref<10000x128xbf16, #tpu.memory_space<hbm>> -> memref<80x128xbf16, #tpu.memory_space<hbm>>
      %dma_wait3A_118 = tpu.memref_slice %arg11[%dma_wait3A_110] : memref<2x!tpu.dma_semaphore, #tpu.memory_space<semaphore_mem>> -> memref<1x!tpu.dma_semaphore, #tpu.memory_space<semaphore_mem>>
      %dma_wait3A_119 = tpu.memref_squeeze %dma_wait3A_118 : memref<1x!tpu.dma_semaphore, #tpu.memory_space<semaphore_mem>> -> memref<!tpu.dma_semaphore, #tpu.memory_space<semaphore_mem>>
      %dma_wait3A_120 = arith.constant 0 : i32
      %dma_wait3A_121 = arith.constant 0 : i32
      %dma_wait3A_122 = tpu.memref_slice %arg9[%dma_wait3A_109, %dma_wait3A_120, %dma_wait3A_121] : memref<2x80x128xbf16, #tpu.memory_space<vmem>> -> memref<1x80x128xbf16, #tpu.memory_space<vmem>>
      %dma_wait3A_123 = tpu.memref_squeeze %dma_wait3A_122 : memref<1x80x128xbf16, #tpu.memory_space<vmem>> -> memref<80x128xbf16, #tpu.memory_space<vmem>>
      %dma_wait3A_124 = arith.constant 0 : i32
      %dma_wait3A_125 = arith.constant 0 : i32
      %dma_wait3A_126 = tpu.memref_slice %arg2[%dma_wait3A_124, %dma_wait3A_125] : memref<10000x128xbf16, #tpu.memory_space<hbm>> -> memref<80x128xbf16, #tpu.memory_space<hbm>>
      tpu.wait_dma2 semaphore(%dma_wait3A_119 : memref<!tpu.dma_semaphore, #tpu.memory_space<semaphore_mem>>) src(%dma_wait3A_126 : memref<80x128xbf16, #tpu.memory_space<hbm>>) dst(%dma_wait3A_123 : memref<80x128xbf16, #tpu.memory_space<vmem>>)
      %gt3A = arith.constant 0 : i32
      %gt3A_127 = arith.cmpi sgt, %scan3A_87, %gt3A : i32
      %convert_element_type3A = arith.extui %gt3A_127 : i1 to i32
      %cond3A = arith.constant 0 : i32
      %cond3A_128 = arith.cmpi ne, %convert_element_type3A, %cond3A : i32
      scf.if %cond3A_128 {
        %dma_wait3A_421 = arith.constant 0 : i32
        %dma_wait3A_422 = arith.constant 0 : i32
        %dma_wait3A_423 = arith.constant 0 : i32
        %dma_wait3A_424 = tpu.memref_slice %arg10[%dma_wait3A_421, %dma_wait3A_423] : memref<2x80xf32, #tpu.memory_space<vmem>> -> memref<1x80xf32, #tpu.memory_space<vmem>>
        %dma_wait3A_425 = tpu.memref_squeeze %dma_wait3A_424 : memref<1x80xf32, #tpu.memory_space<vmem>> -> memref<80xf32, #tpu.memory_space<vmem>>
        %dma_wait3A_426 = arith.constant 0 : i32
        %dma_wait3A_427 = tpu.memref_slice %arg5[%dma_wait3A_426] : memref<640000xf32, #tpu.memory_space<hbm>> -> memref<80xf32, #tpu.memory_space<hbm>>
        %dma_wait3A_428 = tpu.memref_slice %arg12[%dma_wait3A_422] : memref<2x!tpu.dma_semaphore, #tpu.memory_space<semaphore_mem>> -> memref<1x!tpu.dma_semaphore, #tpu.memory_space<semaphore_mem>>
        %dma_wait3A_429 = tpu.memref_squeeze %dma_wait3A_428 : memref<1x!tpu.dma_semaphore, #tpu.memory_space<semaphore_mem>> -> memref<!tpu.dma_semaphore, #tpu.memory_space<semaphore_mem>>
        %dma_wait3A_430 = arith.constant 0 : i32
        %dma_wait3A_431 = tpu.memref_slice %arg10[%dma_wait3A_421, %dma_wait3A_430] : memref<2x80xf32, #tpu.memory_space<vmem>> -> memref<1x80xf32, #tpu.memory_space<vmem>>
        %dma_wait3A_432 = tpu.memref_squeeze %dma_wait3A_431 : memref<1x80xf32, #tpu.memory_space<vmem>> -> memref<80xf32, #tpu.memory_space<vmem>>
        %dma_wait3A_433 = arith.constant 0 : i32
        %dma_wait3A_434 = tpu.memref_slice %arg5[%dma_wait3A_433] : memref<640000xf32, #tpu.memory_space<hbm>> -> memref<80xf32, #tpu.memory_space<hbm>>
        tpu.wait_dma2 semaphore(%dma_wait3A_429 : memref<!tpu.dma_semaphore, #tpu.memory_space<semaphore_mem>>) src(%dma_wait3A_434 : memref<80xf32, #tpu.memory_space<hbm>>) dst(%dma_wait3A_432 : memref<80xf32, #tpu.memory_space<vmem>>)
      } else {
      }
      %add3A_129 = arith.constant 8 : i32
      %add3A_130 = vector.broadcast %add3A_129 : i32 to vector<16xi32>
      %add3A_131 = arith.addi %iota3A, %add3A_130 : vector<16xi32>
      %jit3A = arith.constant 16 : i32
      %eq3A = arith.constant 0 : i32
      %eq3A_132 = arith.cmpi eq, %jit3A, %eq3A : i32
      %jit3A_133 = arith.constant 1 : i32
      %select_n3A = arith.select %eq3A_132, %jit3A_133, %jit3A : i32
      %rem3A = vector.broadcast %select_n3A : i32 to vector<16xi32>
      %rem3A_134 = arith.remsi %add3A_131, %rem3A : vector<16xi32>
      %ne3A = arith.constant 0 : i32
      %ne3A_135 = vector.broadcast %ne3A : i32 to vector<16xi32>
      %ne3A_136 = arith.cmpi ne, %rem3A_134, %ne3A_135 : vector<16xi32>
      %lt3A = arith.constant 0 : i32
      %lt3A_137 = vector.broadcast %lt3A : i32 to vector<16xi32>
      %lt3A_138 = arith.cmpi slt, %rem3A_134, %lt3A_137 : vector<16xi32>
      %lt3A_139 = arith.constant 0 : i32
      %lt3A_140 = arith.cmpi slt, %select_n3A, %lt3A_139 : i32
      %ne3A_141 = vector.broadcast %lt3A_140 : i1 to vector<16xi1>
      %ne3A_142 = vector.broadcast %ne3A_141 : vector<16xi1> to vector<16xi1>
      %ne3A_143 = arith.xori %lt3A_138, %ne3A_142 : vector<16xi1>
      %and3A = arith.andi %ne3A_143, %ne3A_136 : vector<16xi1>
      %add3A_144 = vector.broadcast %select_n3A : i32 to vector<16xi32>
      %add3A_145 = arith.addi %rem3A_134, %add3A_144 : vector<16xi32>
      %select_n3A_146 = arith.select %and3A, %add3A_145, %rem3A_134 : vector<16xi1>, vector<16xi32>
      %add3A_147 = arith.constant 4 : i32
      %add3A_148 = vector.broadcast %add3A_147 : i32 to vector<16xi32>
      %add3A_149 = arith.addi %iota3A, %add3A_148 : vector<16xi32>
      %jit3A_150 = arith.constant 16 : i32
      %eq3A_151 = arith.constant 0 : i32
      %eq3A_152 = arith.cmpi eq, %jit3A_150, %eq3A_151 : i32
      %jit3A_153 = arith.constant 1 : i32
      %select_n3A_154 = arith.select %eq3A_152, %jit3A_153, %jit3A_150 : i32
      %rem3A_155 = vector.broadcast %select_n3A_154 : i32 to vector<16xi32>
      %rem3A_156 = arith.remsi %add3A_149, %rem3A_155 : vector<16xi32>
      %ne3A_157 = arith.constant 0 : i32
      %ne3A_158 = vector.broadcast %ne3A_157 : i32 to vector<16xi32>
      %ne3A_159 = arith.cmpi ne, %rem3A_156, %ne3A_158 : vector<16xi32>
      %lt3A_160 = arith.constant 0 : i32
      %lt3A_161 = vector.broadcast %lt3A_160 : i32 to vector<16xi32>
      %lt3A_162 = arith.cmpi slt, %rem3A_156, %lt3A_161 : vector<16xi32>
      %lt3A_163 = arith.constant 0 : i32
      %lt3A_164 = arith.cmpi slt, %select_n3A_154, %lt3A_163 : i32
      %ne3A_165 = vector.broadcast %lt3A_164 : i1 to vector<16xi1>
      %ne3A_166 = vector.broadcast %ne3A_165 : vector<16xi1> to vector<16xi1>
      %ne3A_167 = arith.xori %lt3A_162, %ne3A_166 : vector<16xi1>
      %and3A_168 = arith.andi %ne3A_167, %ne3A_159 : vector<16xi1>
      %add3A_169 = vector.broadcast %select_n3A_154 : i32 to vector<16xi32>
      %add3A_170 = arith.addi %rem3A_156, %add3A_169 : vector<16xi32>
      %select_n3A_171 = arith.select %and3A_168, %add3A_170, %rem3A_156 : vector<16xi1>, vector<16xi32>
      %add3A_172 = arith.constant 2 : i32
      %add3A_173 = vector.broadcast %add3A_172 : i32 to vector<16xi32>
      %add3A_174 = arith.addi %iota3A, %add3A_173 : vector<16xi32>
      %jit3A_175 = arith.constant 16 : i32
      %eq3A_176 = arith.constant 0 : i32
      %eq3A_177 = arith.cmpi eq, %jit3A_175, %eq3A_176 : i32
      %jit3A_178 = arith.constant 1 : i32
      %select_n3A_179 = arith.select %eq3A_177, %jit3A_178, %jit3A_175 : i32
      %rem3A_180 = vector.broadcast %select_n3A_179 : i32 to vector<16xi32>
      %rem3A_181 = arith.remsi %add3A_174, %rem3A_180 : vector<16xi32>
      %ne3A_182 = arith.constant 0 : i32
      %ne3A_183 = vector.broadcast %ne3A_182 : i32 to vector<16xi32>
      %ne3A_184 = arith.cmpi ne, %rem3A_181, %ne3A_183 : vector<16xi32>
      %lt3A_185 = arith.constant 0 : i32
      %lt3A_186 = vector.broadcast %lt3A_185 : i32 to vector<16xi32>
      %lt3A_187 = arith.cmpi slt, %rem3A_181, %lt3A_186 : vector<16xi32>
      %lt3A_188 = arith.constant 0 : i32
      %lt3A_189 = arith.cmpi slt, %select_n3A_179, %lt3A_188 : i32
      %ne3A_190 = vector.broadcast %lt3A_189 : i1 to vector<16xi1>
      %ne3A_191 = vector.broadcast %ne3A_190 : vector<16xi1> to vector<16xi1>
      %ne3A_192 = arith.xori %lt3A_187, %ne3A_191 : vector<16xi1>
      %and3A_193 = arith.andi %ne3A_192, %ne3A_184 : vector<16xi1>
      %add3A_194 = vector.broadcast %select_n3A_179 : i32 to vector<16xi32>
      %add3A_195 = arith.addi %rem3A_181, %add3A_194 : vector<16xi32>
      %select_n3A_196 = arith.select %and3A_193, %add3A_195, %rem3A_181 : vector<16xi1>, vector<16xi32>
      %add3A_197 = arith.constant 1 : i32
      %add3A_198 = vector.broadcast %add3A_197 : i32 to vector<16xi32>
      %add3A_199 = arith.addi %iota3A, %add3A_198 : vector<16xi32>
      %jit3A_200 = arith.constant 16 : i32
      %eq3A_201 = arith.constant 0 : i32
      %eq3A_202 = arith.cmpi eq, %jit3A_200, %eq3A_201 : i32
      %jit3A_203 = arith.constant 1 : i32
      %select_n3A_204 = arith.select %eq3A_202, %jit3A_203, %jit3A_200 : i32
      %rem3A_205 = vector.broadcast %select_n3A_204 : i32 to vector<16xi32>
      %rem3A_206 = arith.remsi %add3A_199, %rem3A_205 : vector<16xi32>
      %ne3A_207 = arith.constant 0 : i32
      %ne3A_208 = vector.broadcast %ne3A_207 : i32 to vector<16xi32>
      %ne3A_209 = arith.cmpi ne, %rem3A_206, %ne3A_208 : vector<16xi32>
      %lt3A_210 = arith.constant 0 : i32
      %lt3A_211 = vector.broadcast %lt3A_210 : i32 to vector<16xi32>
      %lt3A_212 = arith.cmpi slt, %rem3A_206, %lt3A_211 : vector<16xi32>
      %lt3A_213 = arith.constant 0 : i32
      %lt3A_214 = arith.cmpi slt, %select_n3A_204, %lt3A_213 : i32
      %ne3A_215 = vector.broadcast %lt3A_214 : i1 to vector<16xi1>
      %ne3A_216 = vector.broadcast %ne3A_215 : vector<16xi1> to vector<16xi1>
      %ne3A_217 = arith.xori %lt3A_212, %ne3A_216 : vector<16xi1>
      %and3A_218 = arith.andi %ne3A_217, %ne3A_209 : vector<16xi1>
      %add3A_219 = vector.broadcast %select_n3A_204 : i32 to vector<16xi32>
      %add3A_220 = arith.addi %rem3A_206, %add3A_219 : vector<16xi32>
      %select_n3A_221 = arith.select %and3A_218, %add3A_220, %rem3A_206 : vector<16xi1>, vector<16xi32>
      %eq3A_222 = arith.constant 0 : i32
      %eq3A_223 = vector.broadcast %eq3A_222 : i32 to vector<16xi32>
      %eq3A_224 = arith.cmpi eq, %iota3A, %eq3A_223 : vector<16xi32>
      %parallel_loop3A = arith.constant 0 : i32
      %parallel_loop3A_225 = arith.constant 80 : i32
      %parallel_loop3A_226 = arith.constant 1 : i32
      %parallel_loop3A_227 = arith.constant 0 : i32
      %parallel_loop3A_228 = arith.constant 0 : i32
      scf.for %parallel_loop3A_421 = %parallel_loop3A to %parallel_loop3A_225 step %parallel_loop3A_226  : i32 {
        %parallel_loop3A_422 = arith.constant 0 : i32
        %parallel_loop3A_423 = arith.constant 0 : i32
        %parallel_loop3A_424 = tpu.memref_slice %arg8[%parallel_loop3A_227, %parallel_loop3A_422, %parallel_loop3A_423] : memref<2x80x128xbf16, #tpu.memory_space<vmem>> -> memref<1x80x128xbf16, #tpu.memory_space<vmem>>
        %parallel_loop3A_425 = tpu.memref_squeeze %parallel_loop3A_424 : memref<1x80x128xbf16, #tpu.memory_space<vmem>> -> memref<80x128xbf16, #tpu.memory_space<vmem>>
        %parallel_loop3A_426 = arith.index_cast %parallel_loop3A_421 : i32 to index
        %parallel_loop3A_427 = arith.constant 0 : index
        %parallel_loop3A_428 = tpu.vector_load %parallel_loop3A_425[%parallel_loop3A_426, %parallel_loop3A_427] {strides = array<i32>} : memref<80x128xbf16, #tpu.memory_space<vmem>>, vector<32xbf16>,
        %parallel_loop3A_429 = arith.constant 0 : i32
        %parallel_loop3A_430 = arith.constant 0 : i32
        %parallel_loop3A_431 = tpu.memref_slice %arg9[%parallel_loop3A_228, %parallel_loop3A_429, %parallel_loop3A_430] : memref<2x80x128xbf16, #tpu.memory_space<vmem>> -> memref<1x80x128xbf16, #tpu.memory_space<vmem>>
        %parallel_loop3A_432 = tpu.memref_squeeze %parallel_loop3A_431 : memref<1x80x128xbf16, #tpu.memory_space<vmem>> -> memref<80x128xbf16, #tpu.memory_space<vmem>>
        %parallel_loop3A_433 = arith.index_cast %parallel_loop3A_421 : i32 to index
        %parallel_loop3A_434 = arith.constant 0 : index
        %parallel_loop3A_435 = tpu.vector_load %parallel_loop3A_432[%parallel_loop3A_433, %parallel_loop3A_434] {strides = array<i32>} : memref<80x128xbf16, #tpu.memory_space<vmem>>, vector<32xbf16>,
        %parallel_loop3A_436 = arith.mulf %parallel_loop3A_428, %parallel_loop3A_435 : vector<32xbf16>
        %parallel_loop3A_437 = tpu.unpack_subelements %parallel_loop3A_436, 0 {pack_format = #tpu.pack_format<interleaved>} : vector<32xbf16> -> vector<16xf32>
        %parallel_loop3A_438 = tpu.unpack_subelements %parallel_loop3A_436, 1 {pack_format = #tpu.pack_format<interleaved>} : vector<32xbf16> -> vector<16xf32>
        %parallel_loop3A_439 = arith.constant 0 : i32
        %parallel_loop3A_440 = arith.constant 0 : i32
        %parallel_loop3A_441 = tpu.memref_slice %arg8[%parallel_loop3A_227, %parallel_loop3A_439, %parallel_loop3A_440] : memref<2x80x128xbf16, #tpu.memory_space<vmem>> -> memref<1x80x128xbf16, #tpu.memory_space<vmem>>
        %parallel_loop3A_442 = tpu.memref_squeeze %parallel_loop3A_441 : memref<1x80x128xbf16, #tpu.memory_space<vmem>> -> memref<80x128xbf16, #tpu.memory_space<vmem>>
        %parallel_loop3A_443 = arith.index_cast %parallel_loop3A_421 : i32 to index
        %parallel_loop3A_444 = arith.constant 32 : index
        %parallel_loop3A_445 = tpu.vector_load %parallel_loop3A_442[%parallel_loop3A_443, %parallel_loop3A_444] {strides = array<i32>} : memref<80x128xbf16, #tpu.memory_space<vmem>>, vector<32xbf16>,
        %parallel_loop3A_446 = arith.constant 0 : i32
        %parallel_loop3A_447 = arith.constant 0 : i32
        %parallel_loop3A_448 = tpu.memref_slice %arg9[%parallel_loop3A_228, %parallel_loop3A_446, %parallel_loop3A_447] : memref<2x80x128xbf16, #tpu.memory_space<vmem>> -> memref<1x80x128xbf16, #tpu.memory_space<vmem>>
        %parallel_loop3A_449 = tpu.memref_squeeze %parallel_loop3A_448 : memref<1x80x128xbf16, #tpu.memory_space<vmem>> -> memref<80x128xbf16, #tpu.memory_space<vmem>>
        %parallel_loop3A_450 = arith.index_cast %parallel_loop3A_421 : i32 to index
        %parallel_loop3A_451 = arith.constant 32 : index
        %parallel_loop3A_452 = tpu.vector_load %parallel_loop3A_449[%parallel_loop3A_450, %parallel_loop3A_451] {strides = array<i32>} : memref<80x128xbf16, #tpu.memory_space<vmem>>, vector<32xbf16>,
        %parallel_loop3A_453 = arith.mulf %parallel_loop3A_445, %parallel_loop3A_452 : vector<32xbf16>
        %parallel_loop3A_454 = tpu.unpack_subelements %parallel_loop3A_453, 0 {pack_format = #tpu.pack_format<interleaved>} : vector<32xbf16> -> vector<16xf32>
        %parallel_loop3A_455 = tpu.unpack_subelements %parallel_loop3A_453, 1 {pack_format = #tpu.pack_format<interleaved>} : vector<32xbf16> -> vector<16xf32>
        %parallel_loop3A_456 = arith.constant 0 : i32
        %parallel_loop3A_457 = arith.constant 0 : i32
        %parallel_loop3A_458 = tpu.memref_slice %arg8[%parallel_loop3A_227, %parallel_loop3A_456, %parallel_loop3A_457] : memref<2x80x128xbf16, #tpu.memory_space<vmem>> -> memref<1x80x128xbf16, #tpu.memory_space<vmem>>
        %parallel_loop3A_459 = tpu.memref_squeeze %parallel_loop3A_458 : memref<1x80x128xbf16, #tpu.memory_space<vmem>> -> memref<80x128xbf16, #tpu.memory_space<vmem>>
        %parallel_loop3A_460 = arith.index_cast %parallel_loop3A_421 : i32 to index
        %parallel_loop3A_461 = arith.constant 64 : index
        %parallel_loop3A_462 = tpu.vector_load %parallel_loop3A_459[%parallel_loop3A_460, %parallel_loop3A_461] {strides = array<i32>} : memref<80x128xbf16, #tpu.memory_space<vmem>>, vector<32xbf16>,
        %parallel_loop3A_463 = arith.constant 0 : i32
        %parallel_loop3A_464 = arith.constant 0 : i32
        %parallel_loop3A_465 = tpu.memref_slice %arg9[%parallel_loop3A_228, %parallel_loop3A_463, %parallel_loop3A_464] : memref<2x80x128xbf16, #tpu.memory_space<vmem>> -> memref<1x80x128xbf16, #tpu.memory_space<vmem>>
        %parallel_loop3A_466 = tpu.memref_squeeze %parallel_loop3A_465 : memref<1x80x128xbf16, #tpu.memory_space<vmem>> -> memref<80x128xbf16, #tpu.memory_space<vmem>>
        %parallel_loop3A_467 = arith.index_cast %parallel_loop3A_421 : i32 to index
        %parallel_loop3A_468 = arith.constant 64 : index
        %parallel_loop3A_469 = tpu.vector_load %parallel_loop3A_466[%parallel_loop3A_467, %parallel_loop3A_468] {strides = array<i32>} : memref<80x128xbf16, #tpu.memory_space<vmem>>, vector<32xbf16>,
        %parallel_loop3A_470 = arith.mulf %parallel_loop3A_462, %parallel_loop3A_469 : vector<32xbf16>
        %parallel_loop3A_471 = tpu.unpack_subelements %parallel_loop3A_470, 0 {pack_format = #tpu.pack_format<interleaved>} : vector<32xbf16> -> vector<16xf32>
        %parallel_loop3A_472 = tpu.unpack_subelements %parallel_loop3A_470, 1 {pack_format = #tpu.pack_format<interleaved>} : vector<32xbf16> -> vector<16xf32>
        %parallel_loop3A_473 = arith.constant 0 : i32
        %parallel_loop3A_474 = arith.constant 0 : i32
        %parallel_loop3A_475 = tpu.memref_slice %arg8[%parallel_loop3A_227, %parallel_loop3A_473, %parallel_loop3A_474] : memref<2x80x128xbf16, #tpu.memory_space<vmem>> -> memref<1x80x128xbf16, #tpu.memory_space<vmem>>
        %parallel_loop3A_476 = tpu.memref_squeeze %parallel_loop3A_475 : memref<1x80x128xbf16, #tpu.memory_space<vmem>> -> memref<80x128xbf16, #tpu.memory_space<vmem>>
        %parallel_loop3A_477 = arith.index_cast %parallel_loop3A_421 : i32 to index
        %parallel_loop3A_478 = arith.constant 96 : index
        %parallel_loop3A_479 = tpu.vector_load %parallel_loop3A_476[%parallel_loop3A_477, %parallel_loop3A_478] {strides = array<i32>} : memref<80x128xbf16, #tpu.memory_space<vmem>>, vector<32xbf16>,
        %parallel_loop3A_480 = arith.constant 0 : i32
        %parallel_loop3A_481 = arith.constant 0 : i32
        %parallel_loop3A_482 = tpu.memref_slice %arg9[%parallel_loop3A_228, %parallel_loop3A_480, %parallel_loop3A_481] : memref<2x80x128xbf16, #tpu.memory_space<vmem>> -> memref<1x80x128xbf16, #tpu.memory_space<vmem>>
        %parallel_loop3A_483 = tpu.memref_squeeze %parallel_loop3A_482 : memref<1x80x128xbf16, #tpu.memory_space<vmem>> -> memref<80x128xbf16, #tpu.memory_space<vmem>>
        %parallel_loop3A_484 = arith.index_cast %parallel_loop3A_421 : i32 to index
        %parallel_loop3A_485 = arith.constant 96 : index
        %parallel_loop3A_486 = tpu.vector_load %parallel_loop3A_483[%parallel_loop3A_484, %parallel_loop3A_485] {strides = array<i32>} : memref<80x128xbf16, #tpu.memory_space<vmem>>, vector<32xbf16>,
        %parallel_loop3A_487 = arith.mulf %parallel_loop3A_479, %parallel_loop3A_486 : vector<32xbf16>
        %parallel_loop3A_488 = tpu.unpack_subelements %parallel_loop3A_487, 0 {pack_format = #tpu.pack_format<interleaved>} : vector<32xbf16> -> vector<16xf32>
        %parallel_loop3A_489 = tpu.unpack_subelements %parallel_loop3A_487, 1 {pack_format = #tpu.pack_format<interleaved>} : vector<32xbf16> -> vector<16xf32>
        %parallel_loop3A_490 = arith.addf %parallel_loop3A_437, %parallel_loop3A_438 : vector<16xf32>
        %parallel_loop3A_491 = arith.addf %parallel_loop3A_454, %parallel_loop3A_455 : vector<16xf32>
        %parallel_loop3A_492 = arith.addf %parallel_loop3A_471, %parallel_loop3A_472 : vector<16xf32>
        %parallel_loop3A_493 = arith.addf %parallel_loop3A_488, %parallel_loop3A_489 : vector<16xf32>
        %parallel_loop3A_494 = arith.addf %parallel_loop3A_490, %parallel_loop3A_491 : vector<16xf32>
        %parallel_loop3A_495 = arith.addf %parallel_loop3A_492, %parallel_loop3A_493 : vector<16xf32>
        %parallel_loop3A_496 = arith.addf %parallel_loop3A_494, %parallel_loop3A_495 : vector<16xf32>
        %parallel_loop3A_497 = arith.constant 0 : i32
        %parallel_loop3A_498 = vector.broadcast %parallel_loop3A_497 : i32 to vector<16xi32>
        %parallel_loop3A_499 = arith.cmpi slt, %select_n3A_146, %parallel_loop3A_498 : vector<16xi32>
        %parallel_loop3A_500 = arith.constant 16 : i32
        %parallel_loop3A_501 = vector.broadcast %parallel_loop3A_500 : i32 to vector<16xi32>
        %parallel_loop3A_502 = arith.addi %select_n3A_146, %parallel_loop3A_501 : vector<16xi32>
        %parallel_loop3A_503 = arith.select %parallel_loop3A_499, %parallel_loop3A_502, %select_n3A_146 : vector<16xi1>, vector<16xi32>
        %parallel_loop3A_504 = vector.shape_cast %parallel_loop3A_503 : vector<16xi32> to vector<16x1xi32>
        %parallel_loop3A_505 = vector.shape_cast %parallel_loop3A_504 : vector<16x1xi32> to vector<16xi32>
        %parallel_loop3A_506 = tpu.dynamic_gather %parallel_loop3A_496[%parallel_loop3A_505] in [0] : vector<16xf32>, vector<16xi32> -> vector<16xf32>
        %parallel_loop3A_507 = arith.addf %parallel_loop3A_496, %parallel_loop3A_506 : vector<16xf32>
        %parallel_loop3A_508 = arith.constant 0 : i32
        %parallel_loop3A_509 = vector.broadcast %parallel_loop3A_508 : i32 to vector<16xi32>
        %parallel_loop3A_510 = arith.cmpi slt, %select_n3A_171, %parallel_loop3A_509 : vector<16xi32>
        %parallel_loop3A_511 = arith.constant 16 : i32
        %parallel_loop3A_512 = vector.broadcast %parallel_loop3A_511 : i32 to vector<16xi32>
        %parallel_loop3A_513 = arith.addi %select_n3A_171, %parallel_loop3A_512 : vector<16xi32>
        %parallel_loop3A_514 = arith.select %parallel_loop3A_510, %parallel_loop3A_513, %select_n3A_171 : vector<16xi1>, vector<16xi32>
        %parallel_loop3A_515 = vector.shape_cast %parallel_loop3A_514 : vector<16xi32> to vector<16x1xi32>
        %parallel_loop3A_516 = vector.shape_cast %parallel_loop3A_515 : vector<16x1xi32> to vector<16xi32>
        %parallel_loop3A_517 = tpu.dynamic_gather %parallel_loop3A_507[%parallel_loop3A_516] in [0] : vector<16xf32>, vector<16xi32> -> vector<16xf32>
        %parallel_loop3A_518 = arith.addf %parallel_loop3A_507, %parallel_loop3A_517 : vector<16xf32>
        %parallel_loop3A_519 = arith.constant 0 : i32
        %parallel_loop3A_520 = vector.broadcast %parallel_loop3A_519 : i32 to vector<16xi32>
        %parallel_loop3A_521 = arith.cmpi slt, %select_n3A_196, %parallel_loop3A_520 : vector<16xi32>
        %parallel_loop3A_522 = arith.constant 16 : i32
        %parallel_loop3A_523 = vector.broadcast %parallel_loop3A_522 : i32 to vector<16xi32>
        %parallel_loop3A_524 = arith.addi %select_n3A_196, %parallel_loop3A_523 : vector<16xi32>
        %parallel_loop3A_525 = arith.select %parallel_loop3A_521, %parallel_loop3A_524, %select_n3A_196 : vector<16xi1>, vector<16xi32>
        %parallel_loop3A_526 = vector.shape_cast %parallel_loop3A_525 : vector<16xi32> to vector<16x1xi32>
        %parallel_loop3A_527 = vector.shape_cast %parallel_loop3A_526 : vector<16x1xi32> to vector<16xi32>
        %parallel_loop3A_528 = tpu.dynamic_gather %parallel_loop3A_518[%parallel_loop3A_527] in [0] : vector<16xf32>, vector<16xi32> -> vector<16xf32>
        %parallel_loop3A_529 = arith.addf %parallel_loop3A_518, %parallel_loop3A_528 : vector<16xf32>
        %parallel_loop3A_530 = arith.constant 0 : i32
        %parallel_loop3A_531 = vector.broadcast %parallel_loop3A_530 : i32 to vector<16xi32>
        %parallel_loop3A_532 = arith.cmpi slt, %select_n3A_221, %parallel_loop3A_531 : vector<16xi32>
        %parallel_loop3A_533 = arith.constant 16 : i32
        %parallel_loop3A_534 = vector.broadcast %parallel_loop3A_533 : i32 to vector<16xi32>
        %parallel_loop3A_535 = arith.addi %select_n3A_221, %parallel_loop3A_534 : vector<16xi32>
        %parallel_loop3A_536 = arith.select %parallel_loop3A_532, %parallel_loop3A_535, %select_n3A_221 : vector<16xi1>, vector<16xi32>
        %parallel_loop3A_537 = vector.shape_cast %parallel_loop3A_536 : vector<16xi32> to vector<16x1xi32>
        %parallel_loop3A_538 = vector.shape_cast %parallel_loop3A_537 : vector<16x1xi32> to vector<16xi32>
        %parallel_loop3A_539 = tpu.dynamic_gather %parallel_loop3A_529[%parallel_loop3A_538] in [0] : vector<16xf32>, vector<16xi32> -> vector<16xf32>
        %parallel_loop3A_540 = arith.addf %parallel_loop3A_529, %parallel_loop3A_539 : vector<16xf32>
        %parallel_loop3A_541 = vector.broadcast %parallel_loop3A_421 : i32 to vector<16xi32>
        %parallel_loop3A_542 = arith.constant 0 : i32
        %parallel_loop3A_543 = arith.constant 0 : i32
        %parallel_loop3A_544 = tpu.memref_slice %arg10[%parallel_loop3A_542, %parallel_loop3A_543] : memref<2x80xf32, #tpu.memory_space<vmem>> -> memref<1x80xf32, #tpu.memory_space<vmem>>
        %parallel_loop3A_545 = tpu.memref_squeeze %parallel_loop3A_544 : memref<1x80xf32, #tpu.memory_space<vmem>> -> memref<80xf32, #tpu.memory_space<vmem>>
        tpu.vector_store_idx %parallel_loop3A_545[%parallel_loop3A_541], %parallel_loop3A_540 masked %eq3A_224 : memref<80xf32, #tpu.memory_space<vmem>>[vector<16xi32>], vector<16xf32>, vector<16xi1>
      } {sc.loop_unroll_factor = 4 : i64, sc.parallel_access}
      %mul3A_229 = arith.constant 80 : i32
      %mul3A_230 = arith.muli %mul3A_90, %mul3A_229 : i32
      %add3A_231 = arith.addi %mul3A_2, %mul3A_230 : i32
      %dma_start3A_232 = arith.constant 0 : i32
      %dma_start3A_233 = arith.constant 0 : i32
      %dma_start3A_234 = arith.constant 0 : i32
      %dma_start3A_235 = tpu.memref_slice %arg10[%dma_start3A_232, %dma_start3A_234] : memref<2x80xf32, #tpu.memory_space<vmem>> -> memref<1x80xf32, #tpu.memory_space<vmem>>
      %dma_start3A_236 = tpu.memref_squeeze %dma_start3A_235 : memref<1x80xf32, #tpu.memory_space<vmem>> -> memref<80xf32, #tpu.memory_space<vmem>>
      %dma_start3A_237 = tpu.memref_slice %arg5[%add3A_231] : memref<640000xf32, #tpu.memory_space<hbm>> -> memref<80xf32, #tpu.memory_space<hbm>>
      %dma_start3A_238 = tpu.memref_slice %arg12[%dma_start3A_233] : memref<2x!tpu.dma_semaphore, #tpu.memory_space<semaphore_mem>> -> memref<1x!tpu.dma_semaphore, #tpu.memory_space<semaphore_mem>>
      %dma_start3A_239 = tpu.memref_squeeze %dma_start3A_238 : memref<1x!tpu.dma_semaphore, #tpu.memory_space<semaphore_mem>> -> memref<!tpu.dma_semaphore, #tpu.memory_space<semaphore_mem>>
      %dma_start3A_240 = tpu.memref_slice %arg5[%add3A_231] : memref<640000xf32, #tpu.memory_space<hbm>> -> memref<80xf32, #tpu.memory_space<hbm>>
      %dma_start3A_241 = arith.constant 0 : i32
      %dma_start3A_242 = tpu.memref_slice %arg10[%dma_start3A_232, %dma_start3A_241] : memref<2x80xf32, #tpu.memory_space<vmem>> -> memref<1x80xf32, #tpu.memory_space<vmem>>
      %dma_start3A_243 = tpu.memref_squeeze %dma_start3A_242 : memref<1x80xf32, #tpu.memory_space<vmem>> -> memref<80xf32, #tpu.memory_space<vmem>>
      tpu.enqueue_dma source(%dma_start3A_243 : memref<80xf32, #tpu.memory_space<vmem>>) target(%dma_start3A_240 : memref<80xf32, #tpu.memory_space<hbm>>) target_semaphore(%dma_start3A_239 : memref<!tpu.dma_semaphore, #tpu.memory_space<semaphore_mem>>)
      %lt3A_244 = arith.constant 124 : i32
      %lt3A_245 = arith.cmpi slt, %scan3A_87, %lt3A_244 : i32
      %convert_element_type3A_246 = arith.extui %lt3A_245 : i1 to i32
      %cond3A_247 = arith.constant 0 : i32
      %cond3A_248 = arith.cmpi ne, %convert_element_type3A_246, %cond3A_247 : i32
      scf.if %cond3A_248 {
        %add3A_421 = arith.constant 2 : i32
        %add3A_422 = arith.addi %mul3A_90, %add3A_421 : i32
        %mul3A_423 = arith.constant 80 : i32
        %mul3A_424 = arith.muli %add3A_422, %mul3A_423 : i32
        %dma_start3A_425 = arith.constant 0 : i32
        %dma_start3A_426 = arith.constant 0 : i32
        %dma_start3A_427 = arith.constant 0 : i32
        %dma_start3A_428 = arith.constant 0 : i32
        %dma_start3A_429 = tpu.memref_slice %arg8[%dma_start3A_425, %dma_start3A_427, %dma_start3A_428] : memref<2x80x128xbf16, #tpu.memory_space<vmem>> -> memref<1x80x128xbf16, #tpu.memory_space<vmem>>
        %dma_start3A_430 = tpu.memref_squeeze %dma_start3A_429 : memref<1x80x128xbf16, #tpu.memory_space<vmem>> -> memref<80x128xbf16, #tpu.memory_space<vmem>>
        %dma_start3A_431 = tpu.memref_slice %arg6[%mul3A_424] : memref<20000xi32, #tpu.memory_space<vmem>> -> memref<80xi32, #tpu.memory_space<vmem>>
        %dma_start3A_432 = arith.constant 0 : i32
        %dma_start3A_433 = arith.constant 0 : i32
        %dma_start3A_434 = tpu.memref_slice %arg2[%dma_start3A_432, %dma_start3A_433] : memref<10000x128xbf16, #tpu.memory_space<hbm>> -> memref<10000x128xbf16, #tpu.memory_space<hbm>>
        %dma_start3A_435 = tpu.memref_slice %arg11[%dma_start3A_426] : memref<2x!tpu.dma_semaphore, #tpu.memory_space<semaphore_mem>> -> memref<1x!tpu.dma_semaphore, #tpu.memory_space<semaphore_mem>>
        %dma_start3A_436 = tpu.memref_squeeze %dma_start3A_435 : memref<1x!tpu.dma_semaphore, #tpu.memory_space<semaphore_mem>> -> memref<!tpu.dma_semaphore, #tpu.memory_space<semaphore_mem>>
        tpu.enqueue_indirect_dma source(%dma_start3A_434 : memref<10000x128xbf16, #tpu.memory_space<hbm>>) target(%dma_start3A_430 : memref<80x128xbf16, #tpu.memory_space<vmem>>) offsets(%dma_start3A_431 : memref<80xi32, #tpu.memory_space<vmem>>) semaphore(%dma_start3A_436 : memref<!tpu.dma_semaphore, #tpu.memory_space<semaphore_mem>>)
        %dma_start3A_437 = arith.constant 0 : i32
        %dma_start3A_438 = arith.constant 0 : i32
        %dma_start3A_439 = arith.constant 0 : i32
        %dma_start3A_440 = arith.constant 0 : i32
        %dma_start3A_441 = tpu.memref_slice %arg9[%dma_start3A_437, %dma_start3A_439, %dma_start3A_440] : memref<2x80x128xbf16, #tpu.memory_space<vmem>> -> memref<1x80x128xbf16, #tpu.memory_space<vmem>>
        %dma_start3A_442 = tpu.memref_squeeze %dma_start3A_441 : memref<1x80x128xbf16, #tpu.memory_space<vmem>> -> memref<80x128xbf16, #tpu.memory_space<vmem>>
        %dma_start3A_443 = tpu.memref_slice %arg7[%mul3A_424] : memref<20000xi32, #tpu.memory_space<vmem>> -> memref<80xi32, #tpu.memory_space<vmem>>
        %dma_start3A_444 = arith.constant 0 : i32
        %dma_start3A_445 = arith.constant 0 : i32
        %dma_start3A_446 = tpu.memref_slice %arg2[%dma_start3A_444, %dma_start3A_445] : memref<10000x128xbf16, #tpu.memory_space<hbm>> -> memref<10000x128xbf16, #tpu.memory_space<hbm>>
        %dma_start3A_447 = tpu.memref_slice %arg11[%dma_start3A_438] : memref<2x!tpu.dma_semaphore, #tpu.memory_space<semaphore_mem>> -> memref<1x!tpu.dma_semaphore, #tpu.memory_space<semaphore_mem>>
        %dma_start3A_448 = tpu.memref_squeeze %dma_start3A_447 : memref<1x!tpu.dma_semaphore, #tpu.memory_space<semaphore_mem>> -> memref<!tpu.dma_semaphore, #tpu.memory_space<semaphore_mem>>
        tpu.enqueue_indirect_dma source(%dma_start3A_446 : memref<10000x128xbf16, #tpu.memory_space<hbm>>) target(%dma_start3A_442 : memref<80x128xbf16, #tpu.memory_space<vmem>>) offsets(%dma_start3A_443 : memref<80xi32, #tpu.memory_space<vmem>>) semaphore(%dma_start3A_448 : memref<!tpu.dma_semaphore, #tpu.memory_space<semaphore_mem>>)
      } else {
      }
      %dma_wait3A_249 = arith.constant 1 : i32
      %dma_wait3A_250 = arith.constant 1 : i32
      %dma_wait3A_251 = arith.constant 0 : i32
      %dma_wait3A_252 = arith.constant 0 : i32
      %dma_wait3A_253 = tpu.memref_slice %arg8[%dma_wait3A_249, %dma_wait3A_251, %dma_wait3A_252] : memref<2x80x128xbf16, #tpu.memory_space<vmem>> -> memref<1x80x128xbf16, #tpu.memory_space<vmem>>
      %dma_wait3A_254 = tpu.memref_squeeze %dma_wait3A_253 : memref<1x80x128xbf16, #tpu.memory_space<vmem>> -> memref<80x128xbf16, #tpu.memory_space<vmem>>
      %dma_wait3A_255 = arith.constant 0 : i32
      %dma_wait3A_256 = arith.constant 0 : i32
      %dma_wait3A_257 = tpu.memref_slice %arg2[%dma_wait3A_255, %dma_wait3A_256] : memref<10000x128xbf16, #tpu.memory_space<hbm>> -> memref<80x128xbf16, #tpu.memory_space<hbm>>
      %dma_wait3A_258 = tpu.memref_slice %arg11[%dma_wait3A_250] : memref<2x!tpu.dma_semaphore, #tpu.memory_space<semaphore_mem>> -> memref<1x!tpu.dma_semaphore, #tpu.memory_space<semaphore_mem>>
      %dma_wait3A_259 = tpu.memref_squeeze %dma_wait3A_258 : memref<1x!tpu.dma_semaphore, #tpu.memory_space<semaphore_mem>> -> memref<!tpu.dma_semaphore, #tpu.memory_space<semaphore_mem>>
      %dma_wait3A_260 = arith.constant 0 : i32
      %dma_wait3A_261 = arith.constant 0 : i32
      %dma_wait3A_262 = tpu.memref_slice %arg8[%dma_wait3A_249, %dma_wait3A_260, %dma_wait3A_261] : memref<2x80x128xbf16, #tpu.memory_space<vmem>> -> memref<1x80x128xbf16, #tpu.memory_space<vmem>>
      %dma_wait3A_263 = tpu.memref_squeeze %dma_wait3A_262 : memref<1x80x128xbf16, #tpu.memory_space<vmem>> -> memref<80x128xbf16, #tpu.memory_space<vmem>>
      %dma_wait3A_264 = arith.constant 0 : i32
      %dma_wait3A_265 = arith.constant 0 : i32
      %dma_wait3A_266 = tpu.memref_slice %arg2[%dma_wait3A_264, %dma_wait3A_265] : memref<10000x128xbf16, #tpu.memory_space<hbm>> -> memref<80x128xbf16, #tpu.memory_space<hbm>>
      tpu.wait_dma2 semaphore(%dma_wait3A_259 : memref<!tpu.dma_semaphore, #tpu.memory_space<semaphore_mem>>) src(%dma_wait3A_266 : memref<80x128xbf16, #tpu.memory_space<hbm>>) dst(%dma_wait3A_263 : memref<80x128xbf16, #tpu.memory_space<vmem>>)
      %dma_wait3A_267 = arith.constant 1 : i32
      %dma_wait3A_268 = arith.constant 1 : i32
      %dma_wait3A_269 = arith.constant 0 : i32
      %dma_wait3A_270 = arith.constant 0 : i32
      %dma_wait3A_271 = tpu.memref_slice %arg9[%dma_wait3A_267, %dma_wait3A_269, %dma_wait3A_270] : memref<2x80x128xbf16, #tpu.memory_space<vmem>> -> memref<1x80x128xbf16, #tpu.memory_space<vmem>>
      %dma_wait3A_272 = tpu.memref_squeeze %dma_wait3A_271 : memref<1x80x128xbf16, #tpu.memory_space<vmem>> -> memref<80x128xbf16, #tpu.memory_space<vmem>>
      %dma_wait3A_273 = arith.constant 0 : i32
      %dma_wait3A_274 = arith.constant 0 : i32
      %dma_wait3A_275 = tpu.memref_slice %arg2[%dma_wait3A_273, %dma_wait3A_274] : memref<10000x128xbf16, #tpu.memory_space<hbm>> -> memref<80x128xbf16, #tpu.memory_space<hbm>>
      %dma_wait3A_276 = tpu.memref_slice %arg11[%dma_wait3A_268] : memref<2x!tpu.dma_semaphore, #tpu.memory_space<semaphore_mem>> -> memref<1x!tpu.dma_semaphore, #tpu.memory_space<semaphore_mem>>
      %dma_wait3A_277 = tpu.memref_squeeze %dma_wait3A_276 : memref<1x!tpu.dma_semaphore, #tpu.memory_space<semaphore_mem>> -> memref<!tpu.dma_semaphore, #tpu.memory_space<semaphore_mem>>
      %dma_wait3A_278 = arith.constant 0 : i32
      %dma_wait3A_279 = arith.constant 0 : i32
      %dma_wait3A_280 = tpu.memref_slice %arg9[%dma_wait3A_267, %dma_wait3A_278, %dma_wait3A_279] : memref<2x80x128xbf16, #tpu.memory_space<vmem>> -> memref<1x80x128xbf16, #tpu.memory_space<vmem>>
      %dma_wait3A_281 = tpu.memref_squeeze %dma_wait3A_280 : memref<1x80x128xbf16, #tpu.memory_space<vmem>> -> memref<80x128xbf16, #tpu.memory_space<vmem>>
      %dma_wait3A_282 = arith.constant 0 : i32
      %dma_wait3A_283 = arith.constant 0 : i32
      %dma_wait3A_284 = tpu.memref_slice %arg2[%dma_wait3A_282, %dma_wait3A_283] : memref<10000x128xbf16, #tpu.memory_space<hbm>> -> memref<80x128xbf16, #tpu.memory_space<hbm>>
      tpu.wait_dma2 semaphore(%dma_wait3A_277 : memref<!tpu.dma_semaphore, #tpu.memory_space<semaphore_mem>>) src(%dma_wait3A_284 : memref<80x128xbf16, #tpu.memory_space<hbm>>) dst(%dma_wait3A_281 : memref<80x128xbf16, #tpu.memory_space<vmem>>)
      %gt3A_285 = arith.constant 0 : i32
      %gt3A_286 = arith.cmpi sgt, %scan3A_87, %gt3A_285 : i32
      %convert_element_type3A_287 = arith.extui %gt3A_286 : i1 to i32
      %cond3A_288 = arith.constant 0 : i32
      %cond3A_289 = arith.cmpi ne, %convert_element_type3A_287, %cond3A_288 : i32
      scf.if %cond3A_289 {
        %dma_wait3A_421 = arith.constant 1 : i32
        %dma_wait3A_422 = arith.constant 1 : i32
        %dma_wait3A_423 = arith.constant 0 : i32
        %dma_wait3A_424 = tpu.memref_slice %arg10[%dma_wait3A_421, %dma_wait3A_423] : memref<2x80xf32, #tpu.memory_space<vmem>> -> memref<1x80xf32, #tpu.memory_space<vmem>>
        %dma_wait3A_425 = tpu.memref_squeeze %dma_wait3A_424 : memref<1x80xf32, #tpu.memory_space<vmem>> -> memref<80xf32, #tpu.memory_space<vmem>>
        %dma_wait3A_426 = arith.constant 0 : i32
        %dma_wait3A_427 = tpu.memref_slice %arg5[%dma_wait3A_426] : memref<640000xf32, #tpu.memory_space<hbm>> -> memref<80xf32, #tpu.memory_space<hbm>>
        %dma_wait3A_428 = tpu.memref_slice %arg12[%dma_wait3A_422] : memref<2x!tpu.dma_semaphore, #tpu.memory_space<semaphore_mem>> -> memref<1x!tpu.dma_semaphore, #tpu.memory_space<semaphore_mem>>
        %dma_wait3A_429 = tpu.memref_squeeze %dma_wait3A_428 : memref<1x!tpu.dma_semaphore, #tpu.memory_space<semaphore_mem>> -> memref<!tpu.dma_semaphore, #tpu.memory_space<semaphore_mem>>
        %dma_wait3A_430 = arith.constant 0 : i32
        %dma_wait3A_431 = tpu.memref_slice %arg10[%dma_wait3A_421, %dma_wait3A_430] : memref<2x80xf32, #tpu.memory_space<vmem>> -> memref<1x80xf32, #tpu.memory_space<vmem>>
        %dma_wait3A_432 = tpu.memref_squeeze %dma_wait3A_431 : memref<1x80xf32, #tpu.memory_space<vmem>> -> memref<80xf32, #tpu.memory_space<vmem>>
        %dma_wait3A_433 = arith.constant 0 : i32
        %dma_wait3A_434 = tpu.memref_slice %arg5[%dma_wait3A_433] : memref<640000xf32, #tpu.memory_space<hbm>> -> memref<80xf32, #tpu.memory_space<hbm>>
        tpu.wait_dma2 semaphore(%dma_wait3A_429 : memref<!tpu.dma_semaphore, #tpu.memory_space<semaphore_mem>>) src(%dma_wait3A_434 : memref<80xf32, #tpu.memory_space<hbm>>) dst(%dma_wait3A_432 : memref<80xf32, #tpu.memory_space<vmem>>)
      } else {
      }
      %add3A_290 = arith.constant 1 : i32
      %add3A_291 = arith.addi %mul3A_90, %add3A_290 : i32
      %add3A_292 = arith.constant 8 : i32
      %add3A_293 = vector.broadcast %add3A_292 : i32 to vector<16xi32>
      %add3A_294 = arith.addi %iota3A, %add3A_293 : vector<16xi32>
      %jit3A_295 = arith.constant 16 : i32
      %eq3A_296 = arith.constant 0 : i32
      %eq3A_297 = arith.cmpi eq, %jit3A_295, %eq3A_296 : i32
      %jit3A_298 = arith.constant 1 : i32
      %select_n3A_299 = arith.select %eq3A_297, %jit3A_298, %jit3A_295 : i32
      %rem3A_300 = vector.broadcast %select_n3A_299 : i32 to vector<16xi32>
      %rem3A_301 = arith.remsi %add3A_294, %rem3A_300 : vector<16xi32>
      %ne3A_302 = arith.constant 0 : i32
      %ne3A_303 = vector.broadcast %ne3A_302 : i32 to vector<16xi32>
      %ne3A_304 = arith.cmpi ne, %rem3A_301, %ne3A_303 : vector<16xi32>
      %lt3A_305 = arith.constant 0 : i32
      %lt3A_306 = vector.broadcast %lt3A_305 : i32 to vector<16xi32>
      %lt3A_307 = arith.cmpi slt, %rem3A_301, %lt3A_306 : vector<16xi32>
      %lt3A_308 = arith.constant 0 : i32
      %lt3A_309 = arith.cmpi slt, %select_n3A_299, %lt3A_308 : i32
      %ne3A_310 = vector.broadcast %lt3A_309 : i1 to vector<16xi1>
      %ne3A_311 = vector.broadcast %ne3A_310 : vector<16xi1> to vector<16xi1>
      %ne3A_312 = arith.xori %lt3A_307, %ne3A_311 : vector<16xi1>
      %and3A_313 = arith.andi %ne3A_312, %ne3A_304 : vector<16xi1>
      %add3A_314 = vector.broadcast %select_n3A_299 : i32 to vector<16xi32>
      %add3A_315 = arith.addi %rem3A_301, %add3A_314 : vector<16xi32>
      %select_n3A_316 = arith.select %and3A_313, %add3A_315, %rem3A_301 : vector<16xi1>, vector<16xi32>
      %add3A_317 = arith.constant 4 : i32
      %add3A_318 = vector.broadcast %add3A_317 : i32 to vector<16xi32>
      %add3A_319 = arith.addi %iota3A, %add3A_318 : vector<16xi32>
      %jit3A_320 = arith.constant 16 : i32
      %eq3A_321 = arith.constant 0 : i32
      %eq3A_322 = arith.cmpi eq, %jit3A_320, %eq3A_321 : i32
      %jit3A_323 = arith.constant 1 : i32
      %select_n3A_324 = arith.select %eq3A_322, %jit3A_323, %jit3A_320 : i32
      %rem3A_325 = vector.broadcast %select_n3A_324 : i32 to vector<16xi32>
      %rem3A_326 = arith.remsi %add3A_319, %rem3A_325 : vector<16xi32>
      %ne3A_327 = arith.constant 0 : i32
      %ne3A_328 = vector.broadcast %ne3A_327 : i32 to vector<16xi32>
      %ne3A_329 = arith.cmpi ne, %rem3A_326, %ne3A_328 : vector<16xi32>
      %lt3A_330 = arith.constant 0 : i32
      %lt3A_331 = vector.broadcast %lt3A_330 : i32 to vector<16xi32>
      %lt3A_332 = arith.cmpi slt, %rem3A_326, %lt3A_331 : vector<16xi32>
      %lt3A_333 = arith.constant 0 : i32
      %lt3A_334 = arith.cmpi slt, %select_n3A_324, %lt3A_333 : i32
      %ne3A_335 = vector.broadcast %lt3A_334 : i1 to vector<16xi1>
      %ne3A_336 = vector.broadcast %ne3A_335 : vector<16xi1> to vector<16xi1>
      %ne3A_337 = arith.xori %lt3A_332, %ne3A_336 : vector<16xi1>
      %and3A_338 = arith.andi %ne3A_337, %ne3A_329 : vector<16xi1>
      %add3A_339 = vector.broadcast %select_n3A_324 : i32 to vector<16xi32>
      %add3A_340 = arith.addi %rem3A_326, %add3A_339 : vector<16xi32>
      %select_n3A_341 = arith.select %and3A_338, %add3A_340, %rem3A_326 : vector<16xi1>, vector<16xi32>
      %add3A_342 = arith.constant 2 : i32
      %add3A_343 = vector.broadcast %add3A_342 : i32 to vector<16xi32>
      %add3A_344 = arith.addi %iota3A, %add3A_343 : vector<16xi32>
      %jit3A_345 = arith.constant 16 : i32
      %eq3A_346 = arith.constant 0 : i32
      %eq3A_347 = arith.cmpi eq, %jit3A_345, %eq3A_346 : i32
      %jit3A_348 = arith.constant 1 : i32
      %select_n3A_349 = arith.select %eq3A_347, %jit3A_348, %jit3A_345 : i32
      %rem3A_350 = vector.broadcast %select_n3A_349 : i32 to vector<16xi32>
      %rem3A_351 = arith.remsi %add3A_344, %rem3A_350 : vector<16xi32>
      %ne3A_352 = arith.constant 0 : i32
      %ne3A_353 = vector.broadcast %ne3A_352 : i32 to vector<16xi32>
      %ne3A_354 = arith.cmpi ne, %rem3A_351, %ne3A_353 : vector<16xi32>
      %lt3A_355 = arith.constant 0 : i32
      %lt3A_356 = vector.broadcast %lt3A_355 : i32 to vector<16xi32>
      %lt3A_357 = arith.cmpi slt, %rem3A_351, %lt3A_356 : vector<16xi32>
      %lt3A_358 = arith.constant 0 : i32
      %lt3A_359 = arith.cmpi slt, %select_n3A_349, %lt3A_358 : i32
      %ne3A_360 = vector.broadcast %lt3A_359 : i1 to vector<16xi1>
      %ne3A_361 = vector.broadcast %ne3A_360 : vector<16xi1> to vector<16xi1>
      %ne3A_362 = arith.xori %lt3A_357, %ne3A_361 : vector<16xi1>
      %and3A_363 = arith.andi %ne3A_362, %ne3A_354 : vector<16xi1>
      %add3A_364 = vector.broadcast %select_n3A_349 : i32 to vector<16xi32>
      %add3A_365 = arith.addi %rem3A_351, %add3A_364 : vector<16xi32>
      %select_n3A_366 = arith.select %and3A_363, %add3A_365, %rem3A_351 : vector<16xi1>, vector<16xi32>
      %add3A_367 = arith.constant 1 : i32
      %add3A_368 = vector.broadcast %add3A_367 : i32 to vector<16xi32>
      %add3A_369 = arith.addi %iota3A, %add3A_368 : vector<16xi32>
      %jit3A_370 = arith.constant 16 : i32
      %eq3A_371 = arith.constant 0 : i32
      %eq3A_372 = arith.cmpi eq, %jit3A_370, %eq3A_371 : i32
      %jit3A_373 = arith.constant 1 : i32
      %select_n3A_374 = arith.select %eq3A_372, %jit3A_373, %jit3A_370 : i32
      %rem3A_375 = vector.broadcast %select_n3A_374 : i32 to vector<16xi32>
      %rem3A_376 = arith.remsi %add3A_369, %rem3A_375 : vector<16xi32>
      %ne3A_377 = arith.constant 0 : i32
      %ne3A_378 = vector.broadcast %ne3A_377 : i32 to vector<16xi32>
      %ne3A_379 = arith.cmpi ne, %rem3A_376, %ne3A_378 : vector<16xi32>
      %lt3A_380 = arith.constant 0 : i32
      %lt3A_381 = vector.broadcast %lt3A_380 : i32 to vector<16xi32>
      %lt3A_382 = arith.cmpi slt, %rem3A_376, %lt3A_381 : vector<16xi32>
      %lt3A_383 = arith.constant 0 : i32
      %lt3A_384 = arith.cmpi slt, %select_n3A_374, %lt3A_383 : i32
      %ne3A_385 = vector.broadcast %lt3A_384 : i1 to vector<16xi1>
      %ne3A_386 = vector.broadcast %ne3A_385 : vector<16xi1> to vector<16xi1>
      %ne3A_387 = arith.xori %lt3A_382, %ne3A_386 : vector<16xi1>
      %and3A_388 = arith.andi %ne3A_387, %ne3A_379 : vector<16xi1>
      %add3A_389 = vector.broadcast %select_n3A_374 : i32 to vector<16xi32>
      %add3A_390 = arith.addi %rem3A_376, %add3A_389 : vector<16xi32>
      %select_n3A_391 = arith.select %and3A_388, %add3A_390, %rem3A_376 : vector<16xi1>, vector<16xi32>
      %eq3A_392 = arith.constant 0 : i32
      %eq3A_393 = vector.broadcast %eq3A_392 : i32 to vector<16xi32>
      %eq3A_394 = arith.cmpi eq, %iota3A, %eq3A_393 : vector<16xi32>
      %parallel_loop3A_395 = arith.constant 0 : i32
      %parallel_loop3A_396 = arith.constant 80 : i32
      %parallel_loop3A_397 = arith.constant 1 : i32
      %parallel_loop3A_398 = arith.constant 1 : i32
      %parallel_loop3A_399 = arith.constant 1 : i32
      scf.for %parallel_loop3A_421 = %parallel_loop3A_395 to %parallel_loop3A_396 step %parallel_loop3A_397  : i32 {
        %parallel_loop3A_422 = arith.constant 0 : i32
        %parallel_loop3A_423 = arith.constant 0 : i32
        %parallel_loop3A_424 = tpu.memref_slice %arg8[%parallel_loop3A_398, %parallel_loop3A_422, %parallel_loop3A_423] : memref<2x80x128xbf16, #tpu.memory_space<vmem>> -> memref<1x80x128xbf16, #tpu.memory_space<vmem>>
        %parallel_loop3A_425 = tpu.memref_squeeze %parallel_loop3A_424 : memref<1x80x128xbf16, #tpu.memory_space<vmem>> -> memref<80x128xbf16, #tpu.memory_space<vmem>>
        %parallel_loop3A_426 = arith.index_cast %parallel_loop3A_421 : i32 to index
        %parallel_loop3A_427 = arith.constant 0 : index
        %parallel_loop3A_428 = tpu.vector_load %parallel_loop3A_425[%parallel_loop3A_426, %parallel_loop3A_427] {strides = array<i32>} : memref<80x128xbf16, #tpu.memory_space<vmem>>, vector<32xbf16>,
        %parallel_loop3A_429 = arith.constant 0 : i32
        %parallel_loop3A_430 = arith.constant 0 : i32
        %parallel_loop3A_431 = tpu.memref_slice %arg9[%parallel_loop3A_399, %parallel_loop3A_429, %parallel_loop3A_430] : memref<2x80x128xbf16, #tpu.memory_space<vmem>> -> memref<1x80x128xbf16, #tpu.memory_space<vmem>>
        %parallel_loop3A_432 = tpu.memref_squeeze %parallel_loop3A_431 : memref<1x80x128xbf16, #tpu.memory_space<vmem>> -> memref<80x128xbf16, #tpu.memory_space<vmem>>
        %parallel_loop3A_433 = arith.index_cast %parallel_loop3A_421 : i32 to index
        %parallel_loop3A_434 = arith.constant 0 : index
        %parallel_loop3A_435 = tpu.vector_load %parallel_loop3A_432[%parallel_loop3A_433, %parallel_loop3A_434] {strides = array<i32>} : memref<80x128xbf16, #tpu.memory_space<vmem>>, vector<32xbf16>,
        %parallel_loop3A_436 = arith.mulf %parallel_loop3A_428, %parallel_loop3A_435 : vector<32xbf16>
        %parallel_loop3A_437 = tpu.unpack_subelements %parallel_loop3A_436, 0 {pack_format = #tpu.pack_format<interleaved>} : vector<32xbf16> -> vector<16xf32>
        %parallel_loop3A_438 = tpu.unpack_subelements %parallel_loop3A_436, 1 {pack_format = #tpu.pack_format<interleaved>} : vector<32xbf16> -> vector<16xf32>
        %parallel_loop3A_439 = arith.constant 0 : i32
        %parallel_loop3A_440 = arith.constant 0 : i32
        %parallel_loop3A_441 = tpu.memref_slice %arg8[%parallel_loop3A_398, %parallel_loop3A_439, %parallel_loop3A_440] : memref<2x80x128xbf16, #tpu.memory_space<vmem>> -> memref<1x80x128xbf16, #tpu.memory_space<vmem>>
        %parallel_loop3A_442 = tpu.memref_squeeze %parallel_loop3A_441 : memref<1x80x128xbf16, #tpu.memory_space<vmem>> -> memref<80x128xbf16, #tpu.memory_space<vmem>>
        %parallel_loop3A_443 = arith.index_cast %parallel_loop3A_421 : i32 to index
        %parallel_loop3A_444 = arith.constant 32 : index
        %parallel_loop3A_445 = tpu.vector_load %parallel_loop3A_442[%parallel_loop3A_443, %parallel_loop3A_444] {strides = array<i32>} : memref<80x128xbf16, #tpu.memory_space<vmem>>, vector<32xbf16>,
        %parallel_loop3A_446 = arith.constant 0 : i32
        %parallel_loop3A_447 = arith.constant 0 : i32
        %parallel_loop3A_448 = tpu.memref_slice %arg9[%parallel_loop3A_399, %parallel_loop3A_446, %parallel_loop3A_447] : memref<2x80x128xbf16, #tpu.memory_space<vmem>> -> memref<1x80x128xbf16, #tpu.memory_space<vmem>>
        %parallel_loop3A_449 = tpu.memref_squeeze %parallel_loop3A_448 : memref<1x80x128xbf16, #tpu.memory_space<vmem>> -> memref<80x128xbf16, #tpu.memory_space<vmem>>
        %parallel_loop3A_450 = arith.index_cast %parallel_loop3A_421 : i32 to index
        %parallel_loop3A_451 = arith.constant 32 : index
        %parallel_loop3A_452 = tpu.vector_load %parallel_loop3A_449[%parallel_loop3A_450, %parallel_loop3A_451] {strides = array<i32>} : memref<80x128xbf16, #tpu.memory_space<vmem>>, vector<32xbf16>,
        %parallel_loop3A_453 = arith.mulf %parallel_loop3A_445, %parallel_loop3A_452 : vector<32xbf16>
        %parallel_loop3A_454 = tpu.unpack_subelements %parallel_loop3A_453, 0 {pack_format = #tpu.pack_format<interleaved>} : vector<32xbf16> -> vector<16xf32>
        %parallel_loop3A_455 = tpu.unpack_subelements %parallel_loop3A_453, 1 {pack_format = #tpu.pack_format<interleaved>} : vector<32xbf16> -> vector<16xf32>
        %parallel_loop3A_456 = arith.constant 0 : i32
        %parallel_loop3A_457 = arith.constant 0 : i32
        %parallel_loop3A_458 = tpu.memref_slice %arg8[%parallel_loop3A_398, %parallel_loop3A_456, %parallel_loop3A_457] : memref<2x80x128xbf16, #tpu.memory_space<vmem>> -> memref<1x80x128xbf16, #tpu.memory_space<vmem>>
        %parallel_loop3A_459 = tpu.memref_squeeze %parallel_loop3A_458 : memref<1x80x128xbf16, #tpu.memory_space<vmem>> -> memref<80x128xbf16, #tpu.memory_space<vmem>>
        %parallel_loop3A_460 = arith.index_cast %parallel_loop3A_421 : i32 to index
        %parallel_loop3A_461 = arith.constant 64 : index
        %parallel_loop3A_462 = tpu.vector_load %parallel_loop3A_459[%parallel_loop3A_460, %parallel_loop3A_461] {strides = array<i32>} : memref<80x128xbf16, #tpu.memory_space<vmem>>, vector<32xbf16>,
        %parallel_loop3A_463 = arith.constant 0 : i32
        %parallel_loop3A_464 = arith.constant 0 : i32
        %parallel_loop3A_465 = tpu.memref_slice %arg9[%parallel_loop3A_399, %parallel_loop3A_463, %parallel_loop3A_464] : memref<2x80x128xbf16, #tpu.memory_space<vmem>> -> memref<1x80x128xbf16, #tpu.memory_space<vmem>>
        %parallel_loop3A_466 = tpu.memref_squeeze %parallel_loop3A_465 : memref<1x80x128xbf16, #tpu.memory_space<vmem>> -> memref<80x128xbf16, #tpu.memory_space<vmem>>
        %parallel_loop3A_467 = arith.index_cast %parallel_loop3A_421 : i32 to index
        %parallel_loop3A_468 = arith.constant 64 : index
        %parallel_loop3A_469 = tpu.vector_load %parallel_loop3A_466[%parallel_loop3A_467, %parallel_loop3A_468] {strides = array<i32>} : memref<80x128xbf16, #tpu.memory_space<vmem>>, vector<32xbf16>,
        %parallel_loop3A_470 = arith.mulf %parallel_loop3A_462, %parallel_loop3A_469 : vector<32xbf16>
        %parallel_loop3A_471 = tpu.unpack_subelements %parallel_loop3A_470, 0 {pack_format = #tpu.pack_format<interleaved>} : vector<32xbf16> -> vector<16xf32>
        %parallel_loop3A_472 = tpu.unpack_subelements %parallel_loop3A_470, 1 {pack_format = #tpu.pack_format<interleaved>} : vector<32xbf16> -> vector<16xf32>
        %parallel_loop3A_473 = arith.constant 0 : i32
        %parallel_loop3A_474 = arith.constant 0 : i32
        %parallel_loop3A_475 = tpu.memref_slice %arg8[%parallel_loop3A_398, %parallel_loop3A_473, %parallel_loop3A_474] : memref<2x80x128xbf16, #tpu.memory_space<vmem>> -> memref<1x80x128xbf16, #tpu.memory_space<vmem>>
        %parallel_loop3A_476 = tpu.memref_squeeze %parallel_loop3A_475 : memref<1x80x128xbf16, #tpu.memory_space<vmem>> -> memref<80x128xbf16, #tpu.memory_space<vmem>>
        %parallel_loop3A_477 = arith.index_cast %parallel_loop3A_421 : i32 to index
        %parallel_loop3A_478 = arith.constant 96 : index
        %parallel_loop3A_479 = tpu.vector_load %parallel_loop3A_476[%parallel_loop3A_477, %parallel_loop3A_478] {strides = array<i32>} : memref<80x128xbf16, #tpu.memory_space<vmem>>, vector<32xbf16>,
        %parallel_loop3A_480 = arith.constant 0 : i32
        %parallel_loop3A_481 = arith.constant 0 : i32
        %parallel_loop3A_482 = tpu.memref_slice %arg9[%parallel_loop3A_399, %parallel_loop3A_480, %parallel_loop3A_481] : memref<2x80x128xbf16, #tpu.memory_space<vmem>> -> memref<1x80x128xbf16, #tpu.memory_space<vmem>>
        %parallel_loop3A_483 = tpu.memref_squeeze %parallel_loop3A_482 : memref<1x80x128xbf16, #tpu.memory_space<vmem>> -> memref<80x128xbf16, #tpu.memory_space<vmem>>
        %parallel_loop3A_484 = arith.index_cast %parallel_loop3A_421 : i32 to index
        %parallel_loop3A_485 = arith.constant 96 : index
        %parallel_loop3A_486 = tpu.vector_load %parallel_loop3A_483[%parallel_loop3A_484, %parallel_loop3A_485] {strides = array<i32>} : memref<80x128xbf16, #tpu.memory_space<vmem>>, vector<32xbf16>,
        %parallel_loop3A_487 = arith.mulf %parallel_loop3A_479, %parallel_loop3A_486 : vector<32xbf16>
        %parallel_loop3A_488 = tpu.unpack_subelements %parallel_loop3A_487, 0 {pack_format = #tpu.pack_format<interleaved>} : vector<32xbf16> -> vector<16xf32>
        %parallel_loop3A_489 = tpu.unpack_subelements %parallel_loop3A_487, 1 {pack_format = #tpu.pack_format<interleaved>} : vector<32xbf16> -> vector<16xf32>
        %parallel_loop3A_490 = arith.addf %parallel_loop3A_437, %parallel_loop3A_438 : vector<16xf32>
        %parallel_loop3A_491 = arith.addf %parallel_loop3A_454, %parallel_loop3A_455 : vector<16xf32>
        %parallel_loop3A_492 = arith.addf %parallel_loop3A_471, %parallel_loop3A_472 : vector<16xf32>
        %parallel_loop3A_493 = arith.addf %parallel_loop3A_488, %parallel_loop3A_489 : vector<16xf32>
        %parallel_loop3A_494 = arith.addf %parallel_loop3A_490, %parallel_loop3A_491 : vector<16xf32>
        %parallel_loop3A_495 = arith.addf %parallel_loop3A_492, %parallel_loop3A_493 : vector<16xf32>
        %parallel_loop3A_496 = arith.addf %parallel_loop3A_494, %parallel_loop3A_495 : vector<16xf32>
        %parallel_loop3A_497 = arith.constant 0 : i32
        %parallel_loop3A_498 = vector.broadcast %parallel_loop3A_497 : i32 to vector<16xi32>
        %parallel_loop3A_499 = arith.cmpi slt, %select_n3A_316, %parallel_loop3A_498 : vector<16xi32>
        %parallel_loop3A_500 = arith.constant 16 : i32
        %parallel_loop3A_501 = vector.broadcast %parallel_loop3A_500 : i32 to vector<16xi32>
        %parallel_loop3A_502 = arith.addi %select_n3A_316, %parallel_loop3A_501 : vector<16xi32>
        %parallel_loop3A_503 = arith.select %parallel_loop3A_499, %parallel_loop3A_502, %select_n3A_316 : vector<16xi1>, vector<16xi32>
        %parallel_loop3A_504 = vector.shape_cast %parallel_loop3A_503 : vector<16xi32> to vector<16x1xi32>
        %parallel_loop3A_505 = vector.shape_cast %parallel_loop3A_504 : vector<16x1xi32> to vector<16xi32>
        %parallel_loop3A_506 = tpu.dynamic_gather %parallel_loop3A_496[%parallel_loop3A_505] in [0] : vector<16xf32>, vector<16xi32> -> vector<16xf32>
        %parallel_loop3A_507 = arith.addf %parallel_loop3A_496, %parallel_loop3A_506 : vector<16xf32>
        %parallel_loop3A_508 = arith.constant 0 : i32
        %parallel_loop3A_509 = vector.broadcast %parallel_loop3A_508 : i32 to vector<16xi32>
        %parallel_loop3A_510 = arith.cmpi slt, %select_n3A_341, %parallel_loop3A_509 : vector<16xi32>
        %parallel_loop3A_511 = arith.constant 16 : i32
        %parallel_loop3A_512 = vector.broadcast %parallel_loop3A_511 : i32 to vector<16xi32>
        %parallel_loop3A_513 = arith.addi %select_n3A_341, %parallel_loop3A_512 : vector<16xi32>
        %parallel_loop3A_514 = arith.select %parallel_loop3A_510, %parallel_loop3A_513, %select_n3A_341 : vector<16xi1>, vector<16xi32>
        %parallel_loop3A_515 = vector.shape_cast %parallel_loop3A_514 : vector<16xi32> to vector<16x1xi32>
        %parallel_loop3A_516 = vector.shape_cast %parallel_loop3A_515 : vector<16x1xi32> to vector<16xi32>
        %parallel_loop3A_517 = tpu.dynamic_gather %parallel_loop3A_507[%parallel_loop3A_516] in [0] : vector<16xf32>, vector<16xi32> -> vector<16xf32>
        %parallel_loop3A_518 = arith.addf %parallel_loop3A_507, %parallel_loop3A_517 : vector<16xf32>
        %parallel_loop3A_519 = arith.constant 0 : i32
        %parallel_loop3A_520 = vector.broadcast %parallel_loop3A_519 : i32 to vector<16xi32>
        %parallel_loop3A_521 = arith.cmpi slt, %select_n3A_366, %parallel_loop3A_520 : vector<16xi32>
        %parallel_loop3A_522 = arith.constant 16 : i32
        %parallel_loop3A_523 = vector.broadcast %parallel_loop3A_522 : i32 to vector<16xi32>
        %parallel_loop3A_524 = arith.addi %select_n3A_366, %parallel_loop3A_523 : vector<16xi32>
        %parallel_loop3A_525 = arith.select %parallel_loop3A_521, %parallel_loop3A_524, %select_n3A_366 : vector<16xi1>, vector<16xi32>
        %parallel_loop3A_526 = vector.shape_cast %parallel_loop3A_525 : vector<16xi32> to vector<16x1xi32>
        %parallel_loop3A_527 = vector.shape_cast %parallel_loop3A_526 : vector<16x1xi32> to vector<16xi32>
        %parallel_loop3A_528 = tpu.dynamic_gather %parallel_loop3A_518[%parallel_loop3A_527] in [0] : vector<16xf32>, vector<16xi32> -> vector<16xf32>
        %parallel_loop3A_529 = arith.addf %parallel_loop3A_518, %parallel_loop3A_528 : vector<16xf32>
        %parallel_loop3A_530 = arith.constant 0 : i32
        %parallel_loop3A_531 = vector.broadcast %parallel_loop3A_530 : i32 to vector<16xi32>
        %parallel_loop3A_532 = arith.cmpi slt, %select_n3A_391, %parallel_loop3A_531 : vector<16xi32>
        %parallel_loop3A_533 = arith.constant 16 : i32
        %parallel_loop3A_534 = vector.broadcast %parallel_loop3A_533 : i32 to vector<16xi32>
        %parallel_loop3A_535 = arith.addi %select_n3A_391, %parallel_loop3A_534 : vector<16xi32>
        %parallel_loop3A_536 = arith.select %parallel_loop3A_532, %parallel_loop3A_535, %select_n3A_391 : vector<16xi1>, vector<16xi32>
        %parallel_loop3A_537 = vector.shape_cast %parallel_loop3A_536 : vector<16xi32> to vector<16x1xi32>
        %parallel_loop3A_538 = vector.shape_cast %parallel_loop3A_537 : vector<16x1xi32> to vector<16xi32>
        %parallel_loop3A_539 = tpu.dynamic_gather %parallel_loop3A_529[%parallel_loop3A_538] in [0] : vector<16xf32>, vector<16xi32> -> vector<16xf32>
        %parallel_loop3A_540 = arith.addf %parallel_loop3A_529, %parallel_loop3A_539 : vector<16xf32>
        %parallel_loop3A_541 = vector.broadcast %parallel_loop3A_421 : i32 to vector<16xi32>
        %parallel_loop3A_542 = arith.constant 1 : i32
        %parallel_loop3A_543 = arith.constant 0 : i32
        %parallel_loop3A_544 = tpu.memref_slice %arg10[%parallel_loop3A_542, %parallel_loop3A_543] : memref<2x80xf32, #tpu.memory_space<vmem>> -> memref<1x80xf32, #tpu.memory_space<vmem>>
        %parallel_loop3A_545 = tpu.memref_squeeze %parallel_loop3A_544 : memref<1x80xf32, #tpu.memory_space<vmem>> -> memref<80xf32, #tpu.memory_space<vmem>>
        tpu.vector_store_idx %parallel_loop3A_545[%parallel_loop3A_541], %parallel_loop3A_540 masked %eq3A_394 : memref<80xf32, #tpu.memory_space<vmem>>[vector<16xi32>], vector<16xf32>, vector<16xi1>
      } {sc.loop_unroll_factor = 4 : i64, sc.parallel_access}
      %mul3A_400 = arith.constant 80 : i32
      %mul3A_401 = arith.muli %add3A_291, %mul3A_400 : i32
      %add3A_402 = arith.addi %mul3A_2, %mul3A_401 : i32
      %dma_start3A_403 = arith.constant 1 : i32
      %dma_start3A_404 = arith.constant 1 : i32
      %dma_start3A_405 = arith.constant 0 : i32
      %dma_start3A_406 = tpu.memref_slice %arg10[%dma_start3A_403, %dma_start3A_405] : memref<2x80xf32, #tpu.memory_space<vmem>> -> memref<1x80xf32, #tpu.memory_space<vmem>>
      %dma_start3A_407 = tpu.memref_squeeze %dma_start3A_406 : memref<1x80xf32, #tpu.memory_space<vmem>> -> memref<80xf32, #tpu.memory_space<vmem>>
      %dma_start3A_408 = tpu.memref_slice %arg5[%add3A_402] : memref<640000xf32, #tpu.memory_space<hbm>> -> memref<80xf32, #tpu.memory_space<hbm>>
      %dma_start3A_409 = tpu.memref_slice %arg12[%dma_start3A_404] : memref<2x!tpu.dma_semaphore, #tpu.memory_space<semaphore_mem>> -> memref<1x!tpu.dma_semaphore, #tpu.memory_space<semaphore_mem>>
      %dma_start3A_410 = tpu.memref_squeeze %dma_start3A_409 : memref<1x!tpu.dma_semaphore, #tpu.memory_space<semaphore_mem>> -> memref<!tpu.dma_semaphore, #tpu.memory_space<semaphore_mem>>
      %dma_start3A_411 = tpu.memref_slice %arg5[%add3A_402] : memref<640000xf32, #tpu.memory_space<hbm>> -> memref<80xf32, #tpu.memory_space<hbm>>
      %dma_start3A_412 = arith.constant 0 : i32
      %dma_start3A_413 = tpu.memref_slice %arg10[%dma_start3A_403, %dma_start3A_412] : memref<2x80xf32, #tpu.memory_space<vmem>> -> memref<1x80xf32, #tpu.memory_space<vmem>>
      %dma_start3A_414 = tpu.memref_squeeze %dma_start3A_413 : memref<1x80xf32, #tpu.memory_space<vmem>> -> memref<80xf32, #tpu.memory_space<vmem>>
      tpu.enqueue_dma source(%dma_start3A_414 : memref<80xf32, #tpu.memory_space<vmem>>) target(%dma_start3A_411 : memref<80xf32, #tpu.memory_space<hbm>>) target_semaphore(%dma_start3A_410 : memref<!tpu.dma_semaphore, #tpu.memory_space<semaphore_mem>>)
      %lt3A_415 = arith.constant 124 : i32
      %lt3A_416 = arith.cmpi slt, %scan3A_87, %lt3A_415 : i32
      %convert_element_type3A_417 = arith.extui %lt3A_416 : i1 to i32
      %cond3A_418 = arith.constant 0 : i32
      %cond3A_419 = arith.cmpi ne, %convert_element_type3A_417, %cond3A_418 : i32
      scf.if %cond3A_419 {
        %add3A_421 = arith.constant 3 : i32
        %add3A_422 = arith.addi %mul3A_90, %add3A_421 : i32
        %mul3A_423 = arith.constant 80 : i32
        %mul3A_424 = arith.muli %add3A_422, %mul3A_423 : i32
        %dma_start3A_425 = arith.constant 1 : i32
        %dma_start3A_426 = arith.constant 1 : i32
        %dma_start3A_427 = arith.constant 0 : i32
        %dma_start3A_428 = arith.constant 0 : i32
        %dma_start3A_429 = tpu.memref_slice %arg8[%dma_start3A_425, %dma_start3A_427, %dma_start3A_428] : memref<2x80x128xbf16, #tpu.memory_space<vmem>> -> memref<1x80x128xbf16, #tpu.memory_space<vmem>>
        %dma_start3A_430 = tpu.memref_squeeze %dma_start3A_429 : memref<1x80x128xbf16, #tpu.memory_space<vmem>> -> memref<80x128xbf16, #tpu.memory_space<vmem>>
        %dma_start3A_431 = tpu.memref_slice %arg6[%mul3A_424] : memref<20000xi32, #tpu.memory_space<vmem>> -> memref<80xi32, #tpu.memory_space<vmem>>
        %dma_start3A_432 = arith.constant 0 : i32
        %dma_start3A_433 = arith.constant 0 : i32
        %dma_start3A_434 = tpu.memref_slice %arg2[%dma_start3A_432, %dma_start3A_433] : memref<10000x128xbf16, #tpu.memory_space<hbm>> -> memref<10000x128xbf16, #tpu.memory_space<hbm>>
        %dma_start3A_435 = tpu.memref_slice %arg11[%dma_start3A_426] : memref<2x!tpu.dma_semaphore, #tpu.memory_space<semaphore_mem>> -> memref<1x!tpu.dma_semaphore, #tpu.memory_space<semaphore_mem>>
        %dma_start3A_436 = tpu.memref_squeeze %dma_start3A_435 : memref<1x!tpu.dma_semaphore, #tpu.memory_space<semaphore_mem>> -> memref<!tpu.dma_semaphore, #tpu.memory_space<semaphore_mem>>
        tpu.enqueue_indirect_dma source(%dma_start3A_434 : memref<10000x128xbf16, #tpu.memory_space<hbm>>) target(%dma_start3A_430 : memref<80x128xbf16, #tpu.memory_space<vmem>>) offsets(%dma_start3A_431 : memref<80xi32, #tpu.memory_space<vmem>>) semaphore(%dma_start3A_436 : memref<!tpu.dma_semaphore, #tpu.memory_space<semaphore_mem>>)
        %dma_start3A_437 = arith.constant 1 : i32
        %dma_start3A_438 = arith.constant 1 : i32
        %dma_start3A_439 = arith.constant 0 : i32
        %dma_start3A_440 = arith.constant 0 : i32
        %dma_start3A_441 = tpu.memref_slice %arg9[%dma_start3A_437, %dma_start3A_439, %dma_start3A_440] : memref<2x80x128xbf16, #tpu.memory_space<vmem>> -> memref<1x80x128xbf16, #tpu.memory_space<vmem>>
        %dma_start3A_442 = tpu.memref_squeeze %dma_start3A_441 : memref<1x80x128xbf16, #tpu.memory_space<vmem>> -> memref<80x128xbf16, #tpu.memory_space<vmem>>
        %dma_start3A_443 = tpu.memref_slice %arg7[%mul3A_424] : memref<20000xi32, #tpu.memory_space<vmem>> -> memref<80xi32, #tpu.memory_space<vmem>>
        %dma_start3A_444 = arith.constant 0 : i32
        %dma_start3A_445 = arith.constant 0 : i32
        %dma_start3A_446 = tpu.memref_slice %arg2[%dma_start3A_444, %dma_start3A_445] : memref<10000x128xbf16, #tpu.memory_space<hbm>> -> memref<10000x128xbf16, #tpu.memory_space<hbm>>
        %dma_start3A_447 = tpu.memref_slice %arg11[%dma_start3A_438] : memref<2x!tpu.dma_semaphore, #tpu.memory_space<semaphore_mem>> -> memref<1x!tpu.dma_semaphore, #tpu.memory_space<semaphore_mem>>
        %dma_start3A_448 = tpu.memref_squeeze %dma_start3A_447 : memref<1x!tpu.dma_semaphore, #tpu.memory_space<semaphore_mem>> -> memref<!tpu.dma_semaphore, #tpu.memory_space<semaphore_mem>>
        tpu.enqueue_indirect_dma source(%dma_start3A_446 : memref<10000x128xbf16, #tpu.memory_space<hbm>>) target(%dma_start3A_442 : memref<80x128xbf16, #tpu.memory_space<vmem>>) offsets(%dma_start3A_443 : memref<80xi32, #tpu.memory_space<vmem>>) semaphore(%dma_start3A_448 : memref<!tpu.dma_semaphore, #tpu.memory_space<semaphore_mem>>)
      } else {
      }
      %scan3A_420 = arith.constant 0 : i32
      scf.yield %scan3A_420 : i32
    }
    %scan3A_59 = arith.constant 125 : i32
    %dma_wait3A = arith.constant 0 : i32
    %dma_wait3A_60 = arith.constant 0 : i32
    %dma_wait3A_61 = arith.constant 0 : i32
    %dma_wait3A_62 = tpu.memref_slice %arg10[%dma_wait3A, %dma_wait3A_61] : memref<2x80xf32, #tpu.memory_space<vmem>> -> memref<1x80xf32, #tpu.memory_space<vmem>>
    %dma_wait3A_63 = tpu.memref_squeeze %dma_wait3A_62 : memref<1x80xf32, #tpu.memory_space<vmem>> -> memref<80xf32, #tpu.memory_space<vmem>>
    %dma_wait3A_64 = arith.constant 0 : i32
    %dma_wait3A_65 = tpu.memref_slice %arg5[%dma_wait3A_64] : memref<640000xf32, #tpu.memory_space<hbm>> -> memref<80xf32, #tpu.memory_space<hbm>>
    %dma_wait3A_66 = tpu.memref_slice %arg12[%dma_wait3A_60] : memref<2x!tpu.dma_semaphore, #tpu.memory_space<semaphore_mem>> -> memref<1x!tpu.dma_semaphore, #tpu.memory_space<semaphore_mem>>
    %dma_wait3A_67 = tpu.memref_squeeze %dma_wait3A_66 : memref<1x!tpu.dma_semaphore, #tpu.memory_space<semaphore_mem>> -> memref<!tpu.dma_semaphore, #tpu.memory_space<semaphore_mem>>
    %dma_wait3A_68 = arith.constant 0 : i32
    %dma_wait3A_69 = tpu.memref_slice %arg10[%dma_wait3A, %dma_wait3A_68] : memref<2x80xf32, #tpu.memory_space<vmem>> -> memref<1x80xf32, #tpu.memory_space<vmem>>
    %dma_wait3A_70 = tpu.memref_squeeze %dma_wait3A_69 : memref<1x80xf32, #tpu.memory_space<vmem>> -> memref<80xf32, #tpu.memory_space<vmem>>
    %dma_wait3A_71 = arith.constant 0 : i32
    %dma_wait3A_72 = tpu.memref_slice %arg5[%dma_wait3A_71] : memref<640000xf32, #tpu.memory_space<hbm>> -> memref<80xf32, #tpu.memory_space<hbm>>
    tpu.wait_dma2 semaphore(%dma_wait3A_67 : memref<!tpu.dma_semaphore, #tpu.memory_space<semaphore_mem>>) src(%dma_wait3A_72 : memref<80xf32, #tpu.memory_space<hbm>>) dst(%dma_wait3A_70 : memref<80xf32, #tpu.memory_space<vmem>>)
    %dma_wait3A_73 = arith.constant 1 : i32
    %dma_wait3A_74 = arith.constant 1 : i32
    %dma_wait3A_75 = arith.constant 0 : i32
    %dma_wait3A_76 = tpu.memref_slice %arg10[%dma_wait3A_73, %dma_wait3A_75] : memref<2x80xf32, #tpu.memory_space<vmem>> -> memref<1x80xf32, #tpu.memory_space<vmem>>
    %dma_wait3A_77 = tpu.memref_squeeze %dma_wait3A_76 : memref<1x80xf32, #tpu.memory_space<vmem>> -> memref<80xf32, #tpu.memory_space<vmem>>
    %dma_wait3A_78 = arith.constant 0 : i32
    %dma_wait3A_79 = tpu.memref_slice %arg5[%dma_wait3A_78] : memref<640000xf32, #tpu.memory_space<hbm>> -> memref<80xf32, #tpu.memory_space<hbm>>
    %dma_wait3A_80 = tpu.memref_slice %arg12[%dma_wait3A_74] : memref<2x!tpu.dma_semaphore, #tpu.memory_space<semaphore_mem>> -> memref<1x!tpu.dma_semaphore, #tpu.memory_space<semaphore_mem>>
    %dma_wait3A_81 = tpu.memref_squeeze %dma_wait3A_80 : memref<1x!tpu.dma_semaphore, #tpu.memory_space<semaphore_mem>> -> memref<!tpu.dma_semaphore, #tpu.memory_space<semaphore_mem>>
    %dma_wait3A_82 = arith.constant 0 : i32
    %dma_wait3A_83 = tpu.memref_slice %arg10[%dma_wait3A_73, %dma_wait3A_82] : memref<2x80xf32, #tpu.memory_space<vmem>> -> memref<1x80xf32, #tpu.memory_space<vmem>>
    %dma_wait3A_84 = tpu.memref_squeeze %dma_wait3A_83 : memref<1x80xf32, #tpu.memory_space<vmem>> -> memref<80xf32, #tpu.memory_space<vmem>>
    %dma_wait3A_85 = arith.constant 0 : i32
    %dma_wait3A_86 = tpu.memref_slice %arg5[%dma_wait3A_85] : memref<640000xf32, #tpu.memory_space<hbm>> -> memref<80xf32, #tpu.memory_space<hbm>>
    tpu.wait_dma2 semaphore(%dma_wait3A_81 : memref<!tpu.dma_semaphore, #tpu.memory_space<semaphore_mem>>) src(%dma_wait3A_86 : memref<80xf32, #tpu.memory_space<hbm>>) dst(%dma_wait3A_84 : memref<80xf32, #tpu.memory_space<vmem>>)
    return
  }
}

module attributes {stable_mosaic.version = 14 : i64} {
  func.func @body(%arg0: memref<2x2500x128xf32, #tpu.memory_space<vmem>>, %arg1: memref<1x1xf32, #tpu.memory_space<smem>>) attributes {dimension_semantics = [], scalar_prefetch = 0 : i64, scratch_operands = 0 : i64, tpu.core_type = #tpu.core_type<tc>} {
    %get3A = arith.constant 0 : index
    %get3A_0 = arith.constant 0 : index
    %get3A_1 = arith.constant 0 : index
    %get3A_2 = vector.load %arg0[%get3A, %get3A_0, %get3A_1] : memref<2x2500x128xf32, #tpu.memory_space<vmem>>, vector<1x2500x128xf32>
    %get3A_3 = vector.shape_cast %get3A_2 : vector<1x2500x128xf32> to vector<2500x128xf32>
    %logistic3A = arith.negf %get3A_3 : vector<2500x128xf32>
    %logistic3A_4 = math.exp %logistic3A : vector<2500x128xf32>
    %logistic3A_5 = arith.constant 1.000000e+00 : f32
    %logistic3A_6 = vector.broadcast %logistic3A_5 : f32 to vector<2500x128xf32>
    %logistic3A_7 = arith.addf %logistic3A_6, %logistic3A_4 : vector<2500x128xf32>
    %logistic3A_8 = arith.divf %logistic3A_6, %logistic3A_7 : vector<2500x128xf32>
    %get3A_9 = arith.constant 1 : index
    %get3A_10 = arith.constant 0 : index
    %get3A_11 = arith.constant 0 : index
    %get3A_12 = vector.load %arg0[%get3A_9, %get3A_10, %get3A_11] : memref<2x2500x128xf32, #tpu.memory_space<vmem>>, vector<1x2500x128xf32>
    %get3A_13 = vector.shape_cast %get3A_12 : vector<1x2500x128xf32> to vector<2500x128xf32>
    %logistic3A_14 = arith.negf %get3A_13 : vector<2500x128xf32>
    %logistic3A_15 = math.exp %logistic3A_14 : vector<2500x128xf32>
    %logistic3A_16 = arith.constant 1.000000e+00 : f32
    %logistic3A_17 = vector.broadcast %logistic3A_16 : f32 to vector<2500x128xf32>
    %logistic3A_18 = arith.addf %logistic3A_17, %logistic3A_15 : vector<2500x128xf32>
    %logistic3A_19 = arith.divf %logistic3A_17, %logistic3A_18 : vector<2500x128xf32>
    %sub3A = arith.constant 1.000000e+00 : f32
    %sub3A_20 = vector.broadcast %sub3A : f32 to vector<2500x128xf32>
    %sub3A_21 = arith.subf %sub3A_20, %logistic3A_19 : vector<2500x128xf32>
    %max3A = arith.constant 0.000000e+00 : f32
    %max3A_22 = vector.broadcast %max3A : f32 to vector<2500x128xf32>
    %max3A_23 = arith.maximumf %sub3A_21, %max3A_22 : vector<2500x128xf32>
    %add3A = arith.constant 1.000000e-15 : f32
    %add3A_24 = vector.broadcast %add3A : f32 to vector<2500x128xf32>
    %add3A_25 = arith.addf %logistic3A_8, %add3A_24 : vector<2500x128xf32>
    %log3A = math.log %add3A_25 : vector<2500x128xf32>
    %neg3A = arith.constant 0.000000e+00 : f32
    %neg3A_26 = vector.broadcast %neg3A : f32 to vector<2500x128xf32>
    %neg3A_27 = arith.subf %neg3A_26, %log3A : vector<2500x128xf32>
    %add3A_28 = arith.constant 1.000000e-15 : f32
    %add3A_29 = vector.broadcast %add3A_28 : f32 to vector<2500x128xf32>
    %add3A_30 = arith.addf %max3A_23, %add3A_29 : vector<2500x128xf32>
    %log3A_31 = math.log %add3A_30 : vector<2500x128xf32>
    %sub3A_32 = arith.subf %neg3A_27, %log3A_31 : vector<2500x128xf32>
    %reduce_sum3A = vector.shape_cast %sub3A_32 : vector<2500x128xf32> to vector<1x2500x128xf32>
    %reduce_sum3A_33 = arith.constant dense<0.000000e+00> : vector<1xf32>
    %reduce_sum3A_34 = vector.multi_reduction <add>, %reduce_sum3A, %reduce_sum3A_33 [1, 2] : vector<1x2500x128xf32> to vector<1xf32>
    %reduce_sum3A_35 = vector.shape_cast %reduce_sum3A_34 : vector<1xf32> to vector<1x1x1xf32>
    %reduce_sum3A_36 = vector.extract %reduce_sum3A_35[0, 0, 0] : f32 from vector<1x1x1xf32>
    %mul3A = arith.constant 3.125000e-06 : f32
    %mul3A_37 = arith.mulf %reduce_sum3A_36, %mul3A : f32
    %swap3A = arith.constant 0 : index
    %swap3A_38 = arith.constant 0 : index
    %swap3A_39 = memref.load %arg1[%swap3A, %swap3A_38] : memref<1x1xf32, #tpu.memory_space<smem>>
    memref.store %mul3A_37, %arg1[%swap3A, %swap3A_38] : memref<1x1xf32, #tpu.memory_space<smem>>
    return
  }
}

</mosaic_0001>

<sc_bundles>
// kernel: kernel.4.cloned.1.call-start
scs
__scs_entry_jumppad:
0x0: {  	(pc) =	sbr.rel $0x88, $3  }
0x1: {  	(tag) =	ssettag $0x0;
	lr =	simm.s32 $0x1  }
0x2: {  	[smem:$0x3F9E] =	sst lr;
	_ =	strace $0xD0000000  }
0x3: {  	_ = 	snop  }
0x4: {  	_ = 	snop  }
0x5: {  	_ = 	snop  }
0x6: {  	_ = 	snop  }
0x7: {  	_ = 	snop  }
__scs_overlays_trampoline_lowered:
0x8: {  	[smem:$0x3FAD] =	sst s0  }
0x9: {  	[smem:$0x3FAE] =	sst s1  }
0xa: {  	[smem:$0x3FAF] =	sst s2  }
0xb: {  	[smem:$0x3FB0] =	sst s3  }
0xc: {  	[smem:$0x3FB1] =	sst s4  }
0xd: {  	[smem:$0x3FB2] =	sst s5  }
0xe: {  	[smem:$0x3FB3] =	sst s6  }
0xf: {  	[smem:$0x3FB4] =	sst s7  }
0x10: {  	[smem:$0x3FB5] =	sst s8  }
0x11: {  	[smem:$0x3FB6] =	sst s9;
	s0 =	simm.s32 @!p0 $0x0  }
0x12: {  	s1 =	sld [smem:$0x3F9C];
	s0 =	simm.s32 @p0 $0x1  }
0x13: {  	[smem:$0x3FB7] =	sst s0;
	s0 =	simm.s32 @!p1 $0x0  }
0x14: {  	s2 =	sld [smem:$0x3F9B];
	s0 =	simm.s32 @p1 $0x1  }
0x15: {  	[smem:$0x3FB8] =	sst s0;
	s0 =	simm.s32 @!p2 $0x0  }
0x16: {  	s3 =	sld [smem:$0x3FDB];
	s0 =	simm.s32 @p2 $0x1  }
0x17: {  	s4 =	simm.s32 $0x1BF5;
	[smem:$0x3FBA] =	sst s0  }
0x18: {  	s0 =	sld [smem:$0x3F9D];
	_ =	swait.ge [sflag:s4], $0x0  }
0x19: {  	s7 =	sld [smem:$0x3F9E]  }
0x1a: {  	s8 =	sadd.s32 $0xFFFFE003, lr  }
0x1b: {  	s9 =	sadd.s32 $0xFFFFFEF7, lr;
	s5 =	simm.s32 $0xFFFFFFFF;
	p2 =	slt.u32 s8, $0xFFFFF086  }
0x1c: {  	p1 =	slt.u32 s9, $0xF7A;
	s5 =	simm.s32 @!p2 $0x0  }
0x1d: {  	s5 =	simm.s32 @p1 $0x1;
	p0 =	seq.s32 s7, s2  }
0x1e: {  	s7 =	smul.u32 @!p0 $0xF7A, s2;
	p2 =	seq.s32 @!p0 s5, $0x0  }
0x1f: {  	s9 =	smul.u32 $0xF7A, s1;
	s8 =	simm.s32 @!p0 $0x1BF5;
	p2 =	por !p2, p0  }
0x20: {  	[sflag:s8] =	ssyncset.s32 @!p0 $0xFFFFF086;
	s6 =	sadd.s32 @!p0 s3, s7;
	s7 =	simm.s32 @!p0 $0x108  }
0x21: {  	s3 =	sadd.s32 s3, s9;
	s6 =	sadd.s32 @!p0 $0x88, s6;
	s7 =	simm.s32 @p2 $0x1082  }
0x22: {  	[simem:s7], [sflag:s8] =	dma.local @!p0 [hbm:s6], $0xF7A  }
0x23: {  	s9 =	sor.u32 $0xD0000000, s2;
	s6 =	simm.s32 $0x108;
	_ =	swait.ge @!p0 [sflag:s8], $0x0  }
0x24: {  	s3 =	sadd.s32 $0x88, s3;
	s6 =	simm.s32 @!p1 $0x1082;
	[sflag:s4] =	ssyncset.s32 $0xFFFFF086  }
0x25: {  	[simem:s6], [sflag:s4] =	dma.local [hbm:s3], $0xF7A  }
0x26: {  	[smem:$0x3F9E] =	sst s1;
	(tag) =	ssettag s2;
	_ =	strace s9  }
0x27: {  	s1 =	sld [smem:$0x3FAE]  }
0x28: {  	s2 =	sld [smem:$0x3FAF]  }
0x29: {  	s4 =	sld [smem:$0x3FB1]  }
0x2a: {  	p0 =	seq.s32 s5, $0x0;
	s5 =	sld [smem:$0x3FB2]  }
0x2b: {  	s6 =	sld [smem:$0x3FB3]  }
0x2c: {  	s7 =	sld [smem:$0x3FB4]  }
0x2d: {  	s3 =	simm.s32 $0x108;
	s8 =	sld [smem:$0x3FB5]  }
0x2e: {  	s3 =	simm.s32 @!p0 $0x1082;
	s9 =	sld [smem:$0x3FB6]  }
0x2f: {  	lr =	sadd.s32 s0, s3;
	s0 =	sld [smem:$0x3FAD]  }
0x30: {  	s3 =	sld [smem:$0x3FB0]  }
0x31: {  	[smem:$0x3FB9] =	sst s10  }
0x32: {  	s10 =	sld [smem:$0x3FB7];
	_ =	sdelay $0x3  }
0x33: {  	p0 =	seq.s32 s10, $0x1;
	s10 =	sld [smem:$0x3FB9];
	_ =	sdelay $0x3  }
0x34: {  	[smem:$0x3FB9] =	sst s10  }
0x35: {  	s10 =	sld [smem:$0x3FB8];
	_ =	sdelay $0x3  }
0x36: {  	p1 =	seq.s32 s10, $0x1;
	s10 =	sld [smem:$0x3FB9];
	_ =	sdelay $0x3  }
0x37: {  	[smem:$0x3FB9] =	sst s10  }
0x38: {  	s10 =	sld [smem:$0x3FBA]  }
0x39: {  	_ = 	snop;
	(pc) =	sbr.ind lr, $3  }
0x3a: {  	_ = 	snop  }
0x3b: {  	_ = 	snop  }
0x3c: {  	p2 =	seq.s32 s10, $0x1;
	s10 =	sld [smem:$0x3FB9]  }
0x3d: {  	_ =	shalt  }
0x3e: {  	_ =	shalt  }
0x3f: {  	_ =	shalt  }
0x40: {  	_ =	shalt  }
0x41: {  	_ =	shalt  }
0x42: {  	_ =	shalt  }
0x43: {  	_ =	shalt  }
0x44: {  	_ =	shalt  }
0x45: {  	_ =	shalt  }
0x46: {  	_ =	shalt  }
0x47: {  	_ =	shalt  }
0x48: {  	_ =	shalt  }
0x49: {  	_ =	shalt  }
0x4a: {  	_ =	shalt  }
0x4b: {  	_ =	shalt  }
0x4c: {  	_ =	shalt  }
0x4d: {  	_ =	shalt  }
0x4e: {  	_ =	shalt  }
0x4f: {  	_ =	shalt  }
0x50: {  	_ =	shalt  }
0x51: {  	_ =	shalt  }
0x52: {  	_ =	shalt  }
0x53: {  	_ =	shalt  }
0x54: {  	_ =	shalt  }
0x55: {  	_ =	shalt  }
0x56: {  	_ =	shalt  }
0x57: {  	_ =	shalt  }
0x58: {  	_ =	shalt  }
0x59: {  	_ =	shalt  }
0x5a: {  	_ =	shalt  }
0x5b: {  	_ =	shalt  }
0x5c: {  	_ =	shalt  }
0x5d: {  	_ =	shalt  }
0x5e: {  	_ =	shalt  }
0x5f: {  	_ =	shalt  }
0x60: {  	_ =	shalt  }
0x61: {  	_ =	shalt  }
0x62: {  	_ =	shalt  }
0x63: {  	_ =	shalt  }
0x64: {  	_ =	shalt  }
0x65: {  	_ =	shalt  }
0x66: {  	_ =	shalt  }
0x67: {  	_ =	shalt  }
0x68: {  	_ =	shalt  }
0x69: {  	_ =	shalt  }
0x6a: {  	_ =	shalt  }
0x6b: {  	_ =	shalt  }
0x6c: {  	_ =	shalt  }
0x6d: {  	_ =	shalt  }
0x6e: {  	_ =	shalt  }
0x6f: {  	_ =	shalt  }
0x70: {  	_ =	shalt  }
0x71: {  	_ =	shalt  }
0x72: {  	_ =	shalt  }
0x73: {  	_ =	shalt  }
0x74: {  	_ =	shalt  }
0x75: {  	_ =	shalt  }
0x76: {  	_ =	shalt  }
0x77: {  	_ =	shalt  }
0x78: {  	_ =	shalt  }
0x79: {  	_ =	shalt  }
0x7a: {  	_ =	shalt  }
0x7b: {  	_ =	shalt  }
0x7c: {  	_ =	shalt  }
0x7d: {  	_ =	shalt  }
0x7e: {  	_ =	shalt  }
0x7f: {  	_ =	shalt  }
0x80: {  	_ =	shalt  }
0x81: {  	_ =	shalt  }
0x82: {  	_ =	shalt  }
0x83: {  	_ =	shalt  }
0x84: {  	_ =	shalt  }
0x85: {  	_ =	shalt  }
0x86: {  	_ =	shalt  }
0x87: {  	_ =	shalt  }
.Lfunc_end0:
.L_simem_size_0:
called_computation_lowered:
.L_overlay_start_0:
0x88: {  	s2 =	sld [smem:$0x3FD9]  }
0x89: {  	s3 =	sld [smem:$0x3FFE];
	_ =	sdelay $0x1  }
0x8a: {  	s1 =	srdreg.scid  }
0x8b: {  	s0 =	sand.u32 $0x1, s1  }
0x8c: {  	s16 =	sshll.u32 s0, $0xA;
	s2 =	sadd.s32 s3, s2  }
0x8d: {  	s2 =	sadd.s32 s2, s16  }
0x8e: {  	[smem:$0x3FC5] =	sst s2  }
0x8f: {  	_ = 	snop  }
0x90: {  	(tm) =	ssettm $0x1  }
0x91: {  	s17 =	sld [smem:$0x3FFB];
	_ =	sdelay $0x3  }
0x92: {  	_ =	strace s17  }
0x93: {  	s2 =	sld [smem:$0x3FFC];
	_ =	sdelay $0x3  }
0x94: {  	_ =	strace s2  }
0x95: {  	s2 =	sld [smem:$0x3FFD];
	_ =	sdelay $0x3  }
0x96: {  	_ =	strace s2  }
0x97: {  	_ =	strace $0x8FFFFFFF  }
0x98: {  	s18 =	sld [smem:$0x3FDB];
	_ =	sdelay $0x1  }
0x99: {  	s19 =	simm.s32 $_scs_section_size  }
0x9a: {  	s4 =	simm.s32 $_size__tile_overlayer_lowered;
	s5 =	simm.s32 $_tile_overlayer_lowered  }
0x9b: {  	s22 =	simm.s32 $0x1BFF;
	s21 =	sshll.u32 s5, $0x1;
	s2 =	sadd.s32 s19, s18  }
0x9c: {  	s6 =	simm.s32 $0x0;
	s20 =	sshll.u32 s4, $0x1;
	s4 =	sadd.s32 s21, s2  }
0x9d: {  	[timem:s6], [sflag:s22] =	dma.local [hbm:s4], s20  }
0x9e: {  	_ =	swait.ge [sflag:s22], s20  }
0x9f: {  	s3 =	ssub.s32 $0x0, s20;
	[sflag:s22] =	ssyncset.done $0x0  }
0xa0: {  	[sflag:s22] =	ssyncadd.s32 s3;
	_ =	sdelay $0x1  }
0xa1: {  	s23 =	simm.s32 $0x1B8B  }
0xa2: {  	_ =	swait.ge [sflag:s23], $0x1  }
0xa3: {  	[sflag:s23] =	ssyncset.done $0x0  }
0xa4: {  	s25 =	simm.s32 $0x1B8E;
	s24 =	sld [smem:$0x3FFE];
	[sflag:s23] =	ssyncadd.s32 $0xFFFFFFFF  }
0xa5: {  	s26 =	simm.s32 $execute0_lowered;
	[smem:$0x3FD2] =	sst s25  }
0xa6: {  	s4 =	sshll.u32 s26, $0x1;
	_ =	strace $0x80000046;
	[dreg:$0x1] =	wrdreg $0xFFFFFFFF  }
0xa7: {  	s28 =	simm.s32 $_size_execute0_lowered;
	s2 =	sadd.s32 s2, s4;
	[dreg:$0x0] =	wrdreg $0x0  }
0xa8: {  	s4 =	sshll.u32 s28, $0x1;
	[dreg:$0x2] =	wrdreg s2  }
0xa9: {  	[dreg:$0x3] =	wrdreg s4  }
0xaa: {  	[dreg:$0x4] =	wrdreg $0xC0  }
0xab: {  	_ =	task [dreg:s6], $0x5FFFF  }
0xac: {  	[dreg:$0x1] =	wrdreg $0xFFFFFFFF  }
0xad: {  	[dreg:$0x0] =	wrdreg $0x60  }
0xae: {  	[dreg:$0x2] =	wrdreg s24  }
0xaf: {  	[dreg:$0x3] =	wrdreg $0x9  }
0xb0: {  	_ =	task.clear_ibuf [dreg:s6], $0x4FFFF;
	_ =	strace $0x90000046  }
0xb1: {  	s29 =	simm.s32 $0x9;
	_ =	strace $0x80000048  }
0xb2: {  	_ =	swait.ge [sflag:s29], $0x1  }
0xb3: {  	[sflag:s29] =	ssyncadd.s32 $0xFFFFFFFF  }
0xb4: {  	_ =	strace $0x90000048  }
0xb5: {  	_ =	sfence  }
0xb6: {  	s30 =	sld [smem:$0x0];
	_ =	sdelay $0x2  }
0xb7: {  	s31 =	sshll.u32 s1, $0xD;
	s1 =	sshrl.u32 s1, $0x2  }
0xb8: {  	s3 =	sand.u32 $0x4000, s31;
	s1 =	sadd.s32 s1, s30  }
0xb9: {  	s0 =	sor.u32 s3, s0;
	s1 =	sshll.u32 s1, $0x11  }
0xba: {  	s0 =	sor.u32 s1, s0  }
0xbb: {  	s0 =	sadd.s32 $0x8F2B, s0  }
0xbc: {  	[sflag:s0] =	ssyncadd.remote.s32 $0x1  }
0xbd: {  	_ =	sfence.sel $0xFFFF  }
0xbe: {  	[dreg:$0x0] =	wrdreg $0xFFFFFFFF;
	(pc) =	sbr.abs _section_cstart, $3  }
0xbf: {  	[dreg:$0x1] =	wrdreg $0xFFFFFFFF  }
0xc0: {  	_ =	task.clear_ibuf [dreg:s6], $0x2FFFF;
	_ =	strace $0x9FFFFFFF  }
0xc1: {  	(tm) =	ssettm $0x7FFFFFFF  }
tec
execute0_lowered:
.L_overlay_start_1:
0x0: {  	(tag) =	ssettag $0x1  }
0x1: {  	v0 =	vimm.s32 $0xFEDCBA98;
	v1 =	vimm.s32 $0x76543210  }
0x2: {  	s0 =	srdreg.scid;
	s1 =	stileid.u32;
	s2 =	simm.s32 $0x0;
	v2 =	vimm.s32 $0x3210FEDC;
	v3 =	vimm.s32 $0xBA987654;
	v4 =	vimm.s32 $0x10FEDCBA  }
0x3: {  	v5 =	vimm.s32 $0x98765432;
	v6 =	vimm.s32 $0xFEDCBA9;
	s10 =	simm.s32 $0x5;
	s11 =	simm.s32 $0x4E20;
	s12 =	simm.s32 $0x50  }
0x4: {  	v7 =	vimm.s32 $0x87654321;
	s13 =	simm.s32 $0x9C40;
	s14 =	simm.s32 $0xC440;
	s15 =	simm.s32 $0xB040  }
0x5: {  	s16 =	simm.s32 $0x4E70;
	s17 =	simm.s32 $0xD840;
	s18 =	simm.s32 $0x1;
	v0 =	vunpack.c.l.s4.s8 v0;
	v1 =	vunpack.c.l.s4.s8 v1;
	v2 =	vunpack.c.l.s4.s8 v2  }
0x6: {  	s19 =	simm.s32 $0xEC40;
	s0 =	sand.u32 $0x1, s0;
	s3 =	sshll.u32 s1, $0x1;
	v3 =	vunpack.c.l.s4.s8 v3;
	v4 =	vunpack.c.l.s4.s8 v4;
	v5 =	vunpack.c.l.s4.s8 v5  }
0x7: {  	s20 =	simm.s32 $0x2;
	s21 =	simm.s32 $0xEC90;
	v6 =	vunpack.c.l.s4.s8 v6;
	v7 =	vunpack.c.l.s4.s8 v7;
	s3 =	sor.u32 s0, s3;
	v0 =	vunpack.c.0.s8.s32 v0  }
0x8: {  	s22 =	simm.s32 $0x3;
	s23 =	simm.s32 $0x4;
	s4 =	smul.u32 $0x4E20, s3;
	v2 =	vunpack.c.0.s8.s32 v2;
	v3 =	vunpack.c.0.s8.s32 v3;
	v4 =	vunpack.c.0.s8.s32 v4  }
.Ltmp0:
0x9: {  	s24 =	simm.s32 $0x0;
	[smem:$0x7FF] =	sst s2;
	v5 =	vunpack.c.0.s8.s32 v5;
	v6 =	vunpack.c.0.s8.s32 v6;
	v7 =	vunpack.c.0.s8.s32 v7;
	(pc) =	sbr.rel .LBB2_1-.Ltmp0, $4  }
0xa: {  	s1 =	rddreg [dreg:$0x0];
	_ =	strace $0x80000047;
	s0 =	ssub.s32 $0x2, s0;
	v1 =	vunpack.c.0.s8.s32 v1;
	v2 =	vcombine.low v3, v2  }
0xb: {  	s5 =	sadd.s32 $0x3AE00, s1;
	s6 =	sshrl.u32 s0, $0x1;
	s3 =	sshrl.u32 s4, $0x3;
	v3 =	vcombine.low v5, v4;
	v4 =	vcombine.low v7, v6;
	v0 =	vand.u32 $0xF, v0  }
0xc: {  	s0 =	ssub.s32 s0, s6;
	s8 =	sadd.s32 $0x50, s4;
	s3 =	sadd.s32 s3, s1;
	v0 =	vcombine.low v0, v1  }
0xd: {  	s9 =	smax.u32 s0, $0x1;
	s6 =	sadd.s32 $0x13A00, s3;
	s7 =	sadd.s32 $0x27400, s3;
	v1 =	vand.u32 $0xF, v2;
	v2 =	vand.u32 $0xF, v3;
	v3 =	vand.u32 $0xF, v4  }
.LBB2_8:
0xe: {  	s24 =	sadd.s32 $0x1, s24  }
0xf: {  	_ =	swait.ge [sflag:s22], $0x50;
	p0 =	sne.s32 s24, s9  }
.Ltmp1:
0x10: {  	[sflag:s22] =	ssyncset.done $0x0;
	(pc) =	sbr.rel @!p0 .LBB2_9-.Ltmp1, $4  }
0x11: {  	[sflag:s22] =	ssyncadd.s32 $0xFFFFFFB0  }
0x12: {  	_ =	swait.ge [sflag:s23], $0x50  }
0x13: {  	[sflag:s23] =	ssyncset.done $0x0  }
0x14: {  	[sflag:s23] =	ssyncadd.s32 $0xFFFFFFB0  }
.LBB2_1:
0x15: {  	[tilespmem:s2], [sflag:$0x5] =	stream.linear.gather [hbm4b:s6+s2], $0x4E20, $0x38;
	[tilespmem:$0xECE0] =	vst v63  }
0x16: {  	_ =	swait.ge [sflag:s10], $0x4E20  }
0x17: {  	[sflag:s10] =	ssyncset.done $0x0  }
0x18: {  	[sflag:s10] =	ssyncadd.s32 $0xFFFFB1E0  }
0x19: {  	[tilespmem:s11], [sflag:$0x5] =	stream.linear.gather [hbm4b:s7+s2], $0x4E20, $0x38;
	[tilespmem:$0xECE0] =	vst v63  }
0x1a: {  	_ =	swait.ge [sflag:s10], $0x4E20  }
0x1b: {  	[sflag:s10] =	ssyncset.done $0x0  }
0x1c: {  	[sflag:s10] =	ssyncadd.s32 $0xFFFFB1E0  }
0x1d: {  	[tilespmem:s13], [sflag:$0x1] =	stream.indirect.gather [hbm4b:s1+s12], $0x40, s2, s12, $0xb8;
	[tilespmem:$0xECE0] =	vst v63  }
0x1e: {  	_ = 	snop  }
0x1f: {  	[tilespmem:s14], [sflag:$0x1] =	stream.indirect.gather [hbm4b:s1+s12], $0x40, s11, s12, $0xb8;
	[tilespmem:$0xECE0] =	vst v63  }
0x20: {  	_ = 	snop  }
0x21: {  	[tilespmem:s15], [sflag:$0x2] =	stream.indirect.gather [hbm4b:s1+s12], $0x40, s12, s12, $0xb8;
	[tilespmem:$0xECE0] =	vst v63  }
0x22: {  	s25 =	simm.s32 $0x0  }
0x23: {  	[tilespmem:s17], [sflag:$0x2] =	stream.indirect.gather [hbm4b:s1+s12], $0x40, s16, s12, $0xb8;
	[tilespmem:$0xECE0] =	vst v63  }
.LBB2_2:
0x24: {  	_ =	swait.ge [sflag:s18], $0x1400  }
0x25: {  	[sflag:s18] =	ssyncset.done $0x0  }
0x26: {  	[sflag:s18] =	ssyncadd.s32 $0xFFFFEC00  }
0x27: {  	_ =	swait.ge [sflag:s18], $0x1400  }
0x28: {  	p0 =	seq.s32 s25, $0x0;
	[sflag:s18] =	ssyncset.done $0x0  }
0x29: {  	s0 =	simm.s32 @!p0 $0x3;
	[sflag:s18] =	ssyncadd.s32 $0xFFFFEC00  }
0x2a: {  	_ =	swait.ge @!p0 [sflag:s0], $0x50  }
0x2b: {  	[sflag:s0] =	ssyncset.done @!p0 $0x0  }
0x2c: {  	s3 =	simm.s32 $0x9CC0;
	[sflag:s0] =	ssyncadd.s32 @!p0 $0xFFFFFFB0  }
0x2d: {  	s26 =	simm.s32 $0xC4C0;
	v4 =	vld [tilespmem:s3+$0x40]  }
0x2e: {  	v5 =	vld [tilespmem:s26+$0x40]  }
0x2f: {  	v6 =	vld [tilespmem:s3+$0x50]  }
0x30: {  	v7 =	vld [tilespmem:s26+$0x50]  }
0x31: {  	v8 =	vld [tilespmem:s3+$0x60]  }
0x32: {  	v9 =	vld [tilespmem:s26+$0x60]  }
0x33: {  	v10 =	vld [tilespmem:s3+$0x70]  }
0x34: {  	v11 =	vld [tilespmem:s26+$0x70]  }
0x35: {  	v13 =	vld [tilespmem:s3+$0xFFFFFF90]  }
0x36: {  	v14 =	vld [tilespmem:s26+$0xFFFFFF90]  }
0x37: {  	v17 =	vld [tilespmem:s3+$0xFFFFFFC0]  }
0x38: {  	v20 =	vld [tilespmem:s26+$0xFFFFFFC0];
	_ =	sdelay $0x1  }
0x39: {  	v12 =	vld [tilespmem:s26+$0xFFFFFF80]  }
0x3a: {  	v15 =	vld [tilespmem:s3+$0xFFFFFFA0];
	v4 =	vmul.bf16 v5, v4;
	v6 =	vmul.bf16 v7, v6  }
0x3b: {  	v5 =	vld [tilespmem:s26+$0xFFFFFFA0];
	v8 =	vmul.bf16 v9, v8;
	v9 =	vmul.bf16 v11, v10  }
0x3c: {  	v7 =	vld [tilespmem:s3+$0xFFFFFFB0];
	v13 =	vmul.bf16 v14, v13;
	v17 =	vmul.bf16 v20, v17;
	v16 =	vunpack.i.u.bf16.f32 v4  }
0x3d: {  	v10 =	vld [tilespmem:s26+$0xFFFFFFB0];
	v4 =	vunpack.i.l.bf16.f32 v4;
	v11 =	vunpack.i.u.bf16.f32 v6;
	v6 =	vunpack.i.l.bf16.f32 v6  }
0x3e: {  	v14 =	vld [tilespmem:s3+$0xFFFFFFE0];
	v18 =	vunpack.i.u.bf16.f32 v8;
	v8 =	vunpack.i.l.bf16.f32 v8;
	v19 =	vunpack.i.u.bf16.f32 v9  }
0x3f: {  	v20 =	vld [tilespmem:s26+$0x0];
	v9 =	vunpack.i.l.bf16.f32 v9;
	v4 =	vadd.f32 v4, v16;
	v6 =	vadd.f32 v6, v11  }
0x40: {  	v11 =	vld [tilespmem:s3+$0xFFFFFFD0];
	v8 =	vadd.f32 v8, v18;
	v9 =	vadd.f32 v9, v19  }
0x41: {  	v16 =	vld [tilespmem:s26+$0xFFFFFFD0]  }
0x42: {  	v18 =	vld [tilespmem:s3+$0x0];
	v5 =	vmul.bf16 v5, v15;
	v4 =	vadd.f32 v6, v4;
	v6 =	vadd.f32 v9, v8  }
0x43: {  	v8 =	vld [tilespmem:s26+$0xFFFFFFE0];
	v9 =	vunpack.i.u.bf16.f32 v13;
	v7 =	vmul.bf16 v10, v7;
	v13 =	vunpack.i.l.bf16.f32 v13  }
0x44: {  	v10 =	vld [tilespmem:s3+$0xFFFFFFF0];
	v13 =	vadd.f32 v13, v9;
	v15 =	vunpack.i.u.bf16.f32 v5;
	v4 =	vadd.f32 v6, v4  }
0x45: {  	v6 =	vld [tilespmem:s26+$0xFFFFFFF0];
	v5 =	vunpack.i.l.bf16.f32 v5;
	v9 =	vunpack.i.u.bf16.f32 v7;
	v7 =	vunpack.i.l.bf16.f32 v7  }
0x46: {  	v7 =	vadd.f32 v7, v9;
	v9 =	vmul.bf16 v16, v11;
	v11 =	vld [tilespmem:s3+$0x10];
	v19 =	vperm.xlane v4, v0  }
0x47: {  	v5 =	vadd.f32 v5, v15;
	v15 =	vunpack.i.u.bf16.f32 v17;
	v16 =	vunpack.i.l.bf16.f32 v17;
	v17 =	vld [tilespmem:s26+$0x10]  }
0x48: {  	v18 =	vmul.bf16 v20, v18;
	v20 =	vld [tilespmem:s3+$0xFFFFFF80];
	v4 =	vadd.f32 v4, v19  }
0x49: {  	v8 =	vmul.bf16 v8, v14;
	v14 =	vld [tilespmem:s3+$0x20];
	v19 =	vunpack.i.u.bf16.f32 v9;
	v9 =	vunpack.i.l.bf16.f32 v9  }
0x4a: {  	v15 =	vadd.f32 v16, v15;
	v9 =	vadd.f32 v9, v19;
	v19 =	vld [tilespmem:s26+$0x20];
	v16 =	vperm.xlane v4, v1  }
0x4b: {  	v6 =	vmul.bf16 v6, v10;
	v10 =	vld [tilespmem:s3+$0x30]  }
0x4c: {  	v21 =	vunpack.i.u.bf16.f32 v8;
	v8 =	vunpack.i.l.bf16.f32 v8;
	v4 =	vadd.f32 v4, v16;
	v16 =	vld [tilespmem:s26+$0x30]  }
0x4d: {  	v8 =	vadd.f32 v8, v21;
	v12 =	vmul.bf16 v12, v20;
	v63 =	vunpack.i.u.bf16.f32 v6  }
0x4e: {  	v6 =	vunpack.i.l.bf16.f32 v6;
	v15 =	vadd.f32 v9, v15;
	v9 =	vmul.bf16 v17, v11  }
0x4f: {  	v11 =	vunpack.i.u.bf16.f32 v18;
	v17 =	vunpack.i.l.bf16.f32 v18;
	v6 =	vadd.f32 v6, v63  }
0x50: {  	v11 =	vadd.f32 v17, v11;
	v17 =	vunpack.i.u.bf16.f32 v9;
	v14 =	vmul.bf16 v19, v14  }
0x51: {  	v6 =	vadd.f32 v6, v8;
	v8 =	vunpack.i.l.bf16.f32 v9;
	v10 =	vmul.bf16 v16, v10  }
0x52: {  	v8 =	vadd.f32 v8, v17;
	v9 =	vunpack.i.u.bf16.f32 v14;
	v14 =	vunpack.i.l.bf16.f32 v14  }
0x53: {  	v14 =	vadd.f32 v14, v9;
	v16 =	vunpack.i.u.bf16.f32 v10;
	v10 =	vunpack.i.l.bf16.f32 v10  }
0x54: {  	v9 =	vunpack.i.u.bf16.f32 v12;
	v12 =	vunpack.i.l.bf16.f32 v12;
	v10 =	vadd.f32 v10, v16  }
0x55: {  	s29 =	simm.s32 $0xC5C0;
	v6 =	vadd.f32 v6, v15;
	v12 =	vadd.f32 v12, v9  }
0x56: {  	s28 =	simm.s32 $0x9DC0;
	v17 =	vld [tilespmem:s29+$0x70];
	v16 =	vadd.f32 v8, v11;
	v8 =	vperm.xlane v4, v2;
	v10 =	vadd.f32 v10, v14  }
0x57: {  	v5 =	vadd.f32 v7, v5;
	v9 =	vld [tilespmem:s28+$0x40];
	v7 =	vadd.f32 v13, v12  }
0x58: {  	s26 =	simm.s32 $0x3;
	v11 =	vld [tilespmem:s29+$0x40];
	v4 =	vadd.f32 v4, v8;
	v14 =	vperm.xlane v6, v0;
	v10 =	vadd.f32 v10, v16  }
0x59: {  	v18 =	vmov s26;
	v13 =	vld [tilespmem:s29+$0x50];
	v5 =	vadd.f32 v5, v7  }
0x5a: {  	v12 =	vld [tilespmem:s28+$0x60];
	v7 =	vperm.xlane v4, v3;
	v19 =	vadd.f32 v6, v14;
	v6 =	vperm.xlane v10, v0  }
0x5b: {  	v8 =	vld [tilespmem:s28+$0x50];
	v15 =	vperm.xlane v5, v0  }
0x5c: {  	s31 =	simm.s32 $0x0;
	v14 =	vld [tilespmem:s29+$0x60];
	v4 =	vadd.f32 v4, v7;
	v7 =	vperm.xlane v19, v1;
	v6 =	vadd.f32 v10, v6  }
0x5d: {  	s30 =	simm.s32 $0x8;
	v16 =	vld [tilespmem:s28+$0x70];
	v15 =	vadd.f32 v5, v15;
	v5 =	vmov s31  }
0x5e: {  	s0 =	simm.s32 $0x2;
	s3 =	simm.s32 $0x1;
	s26 =	simm.s32 $0x4;
	v5 =	vand.u32 $0xFFFFFFFC, v5;
	[tilespmem:v18+s19+$0x0] =	vst.idx.msk $0x1, v4;
	v4 =	vld [tilespmem:s29+$0xFFFFFF80];
	v10 =	vadd.f32 v19, v7;
	v18 =	vperm.xlane v6, v1  }
.LBB2_3:
0x5f: {  	p1 =	slt.u32 s30, $0x4C;
	v19 =	vld [tilespmem:s28+$0xFFFFFF90];
	v20 =	vperm.xlane v15, v1;
	v21 =	vmov s3;
	v7 =	vmov s0;
	s31 =	smov.u32 s26;
	s26 =	smov.u32 s30  }
0x60: {  	v9 =	vmul.bf16 v11, v9;
	v22 =	vld [tilespmem:s29+$0xFFFFFF90];
	v11 =	vperm.xlane v10, v2;
	v6 =	vadd.f32 v6, v18  }
0x61: {  	v13 =	vmul.bf16 v13, v8;
	v5 =	vbroadcast v5, $0x0;
	v18 =	vld [tilespmem:s28+$0xFFFFFFA0];
	v8 =	vadd.f32 v15, v20  }
0x62: {  	v12 =	vmul.bf16 v14, v12;
	v20 =	vunpack.i.u.bf16.f32 v9;
	v15 =	vld [tilespmem:s29+$0xFFFFFFA0];
	v14 =	vmul.bf16 v17, v16  }
0x63: {  	v9 =	vunpack.i.l.bf16.f32 v9;
	v17 =	vunpack.i.u.bf16.f32 v13;
	v13 =	vunpack.i.l.bf16.f32 v13;
	v16 =	vld [tilespmem:s28+$0xFFFFFFB0]  }
0x64: {  	v24 =	vunpack.i.u.bf16.f32 v12;
	v12 =	vunpack.i.l.bf16.f32 v12;
	v23 =	vld [tilespmem:s29+$0xFFFFFFB0];
	v25 =	vunpack.i.u.bf16.f32 v14  }
0x65: {  	v9 =	vadd.f32 v9, v20;
	v13 =	vadd.f32 v13, v17;
	v14 =	vunpack.i.l.bf16.f32 v14;
	v26 =	vld [tilespmem:s28+$0xFFFFFFC0]  }
0x66: {  	v12 =	vadd.f32 v12, v24;
	v17 =	vmul.bf16 v22, v19;
	v14 =	vadd.f32 v14, v25;
	v19 =	vld [tilespmem:s29+$0xFFFFFFC0]  }
0x67: {  	v10 =	vadd.f32 v10, v11;
	v20 =	vperm.xlane v8, v2;
	v15 =	vmul.bf16 v15, v18;
	v18 =	vld [tilespmem:s28+$0xFFFFFFD0]  }
0x68: {  	v9 =	vadd.f32 v13, v9;
	v11 =	vunpack.i.u.bf16.f32 v17;
	v12 =	vadd.f32 v14, v12;
	v22 =	vld [tilespmem:s29+$0xFFFFFFD0]  }
0x69: {  	v13 =	vunpack.i.l.bf16.f32 v17;
	v14 =	vunpack.i.u.bf16.f32 v15;
	v16 =	vmul.bf16 v23, v16;
	v17 =	vld [tilespmem:s28+$0xFFFFFFE0]  }
0x6a: {  	v13 =	vadd.f32 v13, v11;
	v15 =	vunpack.i.l.bf16.f32 v15;
	v9 =	vadd.f32 v12, v9;
	v11 =	vld [tilespmem:s29+$0xFFFFFFE0]  }
0x6b: {  	v12 =	vunpack.i.u.bf16.f32 v16;
	v16 =	vunpack.i.l.bf16.f32 v16;
	v19 =	vmul.bf16 v19, v26;
	v23 =	vld [tilespmem:s28+$0xFFFFFFF0]  }
0x6c: {  	v14 =	vadd.f32 v15, v14;
	v12 =	vadd.f32 v16, v12;
	v15 =	vld [tilespmem:s29+$0xFFFFFFF0];
	v16 =	vperm.xlane v9, v0  }
0x6d: {  	v24 =	vunpack.i.u.bf16.f32 v19;
	v19 =	vunpack.i.l.bf16.f32 v19;
	v18 =	vmul.bf16 v22, v18;
	v22 =	vld [tilespmem:s28+$0x0]  }
0x6e: {  	v19 =	vadd.f32 v19, v24;
	v24 =	vld [tilespmem:s29+$0x0];
	v9 =	vadd.f32 v9, v16;
	v16 =	vperm.xlane v6, v2  }
0x6f: {  	v25 =	vunpack.i.u.bf16.f32 v18;
	v18 =	vunpack.i.l.bf16.f32 v18;
	v11 =	vmul.bf16 v11, v17;
	v17 =	vld [tilespmem:s28+$0x10]  }
0x70: {  	v12 =	vadd.f32 v12, v14;
	v14 =	vadd.f32 v18, v25;
	v18 =	vld [tilespmem:s29+$0x10];
	v25 =	vperm.xlane v9, v1  }
0x71: {  	v26 =	vunpack.i.u.bf16.f32 v11;
	v11 =	vunpack.i.l.bf16.f32 v11;
	v15 =	vmul.bf16 v15, v23;
	v23 =	vld [tilespmem:s28+$0x20]  }
0x72: {  	v11 =	vadd.f32 v11, v26;
	v26 =	vld [tilespmem:s29+$0x20];
	v9 =	vadd.f32 v9, v25;
	v25 =	vperm.xlane v10, v3  }
0x73: {  	v27 =	vunpack.i.u.bf16.f32 v15;
	v15 =	vunpack.i.l.bf16.f32 v15;
	v22 =	vmul.bf16 v24, v22;
	v24 =	vld [tilespmem:s28+$0x30]  }
0x74: {  	v14 =	vadd.f32 v14, v19;
	v15 =	vadd.f32 v15, v27;
	v19 =	vld [tilespmem:s29+$0x30];
	v27 =	vperm.xlane v9, v2  }
0x75: {  	v28 =	vld [tilespmem:s28+$0xFFFFFF80];
	v29 =	vunpack.i.u.bf16.f32 v22;
	v22 =	vunpack.i.l.bf16.f32 v22;
	v17 =	vmul.bf16 v18, v17  }
0x76: {  	s0 =	sadd.s32 $0x3, s31;
	v21 =	vand.u32 $0xFFFFFFFD, v21;
	v18 =	vadd.f32 v22, v29;
	v9 =	vadd.f32 v9, v27  }
0x77: {  	v22 =	vunpack.i.u.bf16.f32 v17;
	v23 =	vmul.bf16 v26, v23;
	v26 =	vmov s0  }
0x78: {  	v11 =	vadd.f32 v15, v11;
	v15 =	vunpack.i.l.bf16.f32 v17;
	v17 =	vperm.xlane v9, v3  }
0x79: {  	v27 =	vunpack.i.u.bf16.f32 v23;
	v23 =	vunpack.i.l.bf16.f32 v23;
	v19 =	vmul.bf16 v19, v24  }
0x7a: {  	v15 =	vadd.f32 v15, v22;
	v4 =	vmul.bf16 v4, v28;
	v9 =	vadd.f32 v9, v17  }
0x7b: {  	v22 =	vadd.f32 v23, v27;
	v17 =	vunpack.i.u.bf16.f32 v19;
	v19 =	vunpack.i.l.bf16.f32 v19  }
0x7c: {  	v23 =	vunpack.i.u.bf16.f32 v4;
	v4 =	vunpack.i.l.bf16.f32 v4;
	v17 =	vadd.f32 v19, v17;
	[tilespmem:v26+s19+$0x0] =	vst.idx.msk $0x1, v9  }
0x7d: {  	s28 =	sadd.s32 $0x100, s28;
	v15 =	vadd.f32 v15, v18;
	v18 =	vbroadcast v21, $0x0;
	v4 =	vadd.f32 v4, v23  }
0x7e: {  	v7 =	vand.u32 $0xFFFFFFFE, v7;
	s29 =	sadd.s32 $0x100, s29;
	v14 =	vadd.f32 v11, v14;
	v9 =	vld [tilespmem:s28+$0x40];
	v17 =	vadd.f32 v17, v22  }
0x7f: {  	v7 =	vbroadcast v7, $0x0;
	v19 =	vadd.f32 v8, v20;
	v11 =	vld [tilespmem:s29+$0x40];
	v4 =	vadd.f32 v13, v4  }
0x80: {  	v20 =	vperm.xlane v14, v0;
	v8 =	vld [tilespmem:s28+$0x50];
	v15 =	vadd.f32 v17, v15;
	v17 =	vadd.f32 v6, v16  }
0x81: {  	v10 =	vadd.f32 v10, v25;
	v6 =	vperm.xlane v19, v3;
	v13 =	vld [tilespmem:s29+$0x50];
	v4 =	vadd.f32 v12, v4  }
.Ltmp2:
0x82: {  	v20 =	vadd.f32 v14, v20;
	v12 =	vld [tilespmem:s28+$0x60];
	v21 =	vperm.xlane v15, v0;
	v22 =	vperm.xlane v17, v3;
	(pc) =	sbr.rel @p1 .LBB2_3-.Ltmp2, $4  }
0x83: {  	v19 =	vadd.f32 v19, v6;
	v14 =	vld [tilespmem:s29+$0x60];
	v23 =	vperm.xlane v4, v0;
	[tilespmem:v18+s19+$0x0] =	vst.idx.msk $0x1, v10  }
0x84: {  	v10 =	vperm.xlane v20, v1;
	v16 =	vld [tilespmem:s28+$0x70];
	v6 =	vadd.f32 v15, v21;
	v21 =	vadd.f32 v17, v22  }
0x85: {  	v18 =	vmov s31;
	v17 =	vld [tilespmem:s29+$0x70];
	v15 =	vadd.f32 v4, v23;
	[tilespmem:v5+s19+$0x0] =	vst.idx.msk $0x1, v19  }
0x86: {  	s30 =	sadd.s32 $0x4, s30;
	s3 =	sadd.s32 $0x1, s31;
	s0 =	sadd.s32 $0x2, s31;
	v5 =	vand.u32 $0xFFFFFFFC, v18;
	v10 =	vadd.f32 v20, v10;
	v4 =	vld [tilespmem:s29+$0xFFFFFF80];
	v18 =	vperm.xlane v6, v1;
	[tilespmem:v7+s19+$0x0] =	vst.idx.msk $0x1, v21  }
0x87: {  	v7 =	vld [tilespmem:s28+$0xFFFFFF90]  }
0x88: {  	v19 =	vld [tilespmem:s29+$0xFFFFFF90]  }
0x89: {  	v9 =	vmul.bf16 v11, v9;
	v11 =	vld [tilespmem:s28+$0xFFFFFFA0]  }
0x8a: {  	v8 =	vmul.bf16 v13, v8;
	v13 =	vld [tilespmem:s29+$0xFFFFFFA0]  }
0x8b: {  	v24 =	vld [tilespmem:s29+$0xFFFFFFB0]  }
0x8c: {  	v20 =	vperm.xlane v15, v1;
	v27 =	vld [tilespmem:s28+$0xFFFFFFC0]  }
0x8d: {  	v52 =	vld [tilespmem:s28+$0xFFFFFFD0];
	v12 =	vmul.bf16 v14, v12;
	v51 =	vperm.xlane v10, v2  }
0x8e: {  	v54 =	vld [tilespmem:s28+$0x0];
	v6 =	vadd.f32 v6, v18;
	v23 =	vunpack.i.u.bf16.f32 v9;
	v9 =	vunpack.i.l.bf16.f32 v9  }
0x8f: {  	v56 =	vld [tilespmem:s28+$0x10];
	v14 =	vmul.bf16 v17, v16;
	v17 =	vunpack.i.u.bf16.f32 v8;
	v8 =	vunpack.i.l.bf16.f32 v8  }
0x90: {  	v57 =	vld [tilespmem:s29+$0x10];
	v25 =	vunpack.i.u.bf16.f32 v12;
	v12 =	vunpack.i.l.bf16.f32 v12;
	v9 =	vadd.f32 v9, v23  }
0x91: {  	v18 =	vld [tilespmem:s29+$0xFFFFFFD0];
	v8 =	vadd.f32 v8, v17;
	v26 =	vunpack.i.u.bf16.f32 v14;
	v14 =	vunpack.i.l.bf16.f32 v14  }
0x92: {  	v21 =	vmov s3;
	v16 =	vld [tilespmem:s28+$0xFFFFFFB0];
	v12 =	vadd.f32 v12, v25;
	v14 =	vadd.f32 v14, v26  }
0x93: {  	v15 =	vadd.f32 v15, v20;
	v10 =	vadd.f32 v10, v51;
	v17 =	vld [tilespmem:s29+$0xFFFFFFC0];
	v7 =	vmul.bf16 v19, v7  }
0x94: {  	v11 =	vmul.bf16 v13, v11;
	v8 =	vadd.f32 v8, v9;
	v9 =	vadd.f32 v14, v12;
	v12 =	vld [tilespmem:s28+$0xFFFFFFE0]  }
0x95: {  	v61 =	vperm.xlane v15, v2;
	v13 =	vunpack.i.u.bf16.f32 v7;
	v7 =	vunpack.i.l.bf16.f32 v7;
	v14 =	vld [tilespmem:s29+$0xFFFFFFE0]  }
0x96: {  	v19 =	vunpack.i.u.bf16.f32 v11;
	v11 =	vunpack.i.l.bf16.f32 v11;
	v7 =	vadd.f32 v7, v13;
	v13 =	vld [tilespmem:s29+$0xFFFFFFF0]  }
0x97: {  	v23 =	vmul.bf16 v57, v56;
	v16 =	vmul.bf16 v24, v16;
	v11 =	vadd.f32 v11, v19;
	v19 =	vld [tilespmem:s29+$0x0]  }
0x98: {  	v18 =	vmul.bf16 v18, v52;
	v17 =	vmul.bf16 v17, v27;
	v8 =	vadd.f32 v9, v8;
	v9 =	vld [tilespmem:s28+$0xFFFFFFF0]  }
0x99: {  	v15 =	vadd.f32 v15, v61;
	v20 =	vunpack.i.u.bf16.f32 v16;
	v16 =	vunpack.i.l.bf16.f32 v16  }
0x9a: {  	v55 =	vunpack.i.u.bf16.f32 v17;
	v16 =	vadd.f32 v16, v20;
	v53 =	vperm.xlane v8, v0  }
0x9b: {  	v17 =	vunpack.i.l.bf16.f32 v17;
	v20 =	vunpack.i.u.bf16.f32 v18;
	v18 =	vunpack.i.l.bf16.f32 v18  }
0x9c: {  	v58 =	vld [tilespmem:s28+$0x20];
	v12 =	vmul.bf16 v14, v12;
	v11 =	vadd.f32 v16, v11;
	v8 =	vadd.f32 v8, v53  }
0x9d: {  	v59 =	vld [tilespmem:s28+$0xFFFFFF80];
	v16 =	vadd.f32 v18, v20;
	v19 =	vmul.bf16 v19, v54;
	v9 =	vmul.bf16 v13, v9  }
0x9e: {  	v13 =	vld [tilespmem:s29+$0x20];
	v18 =	vunpack.i.u.bf16.f32 v12;
	v12 =	vunpack.i.l.bf16.f32 v12;
	v14 =	vperm.xlane v8, v1  }
0x9f: {  	v17 =	vadd.f32 v17, v55;
	v60 =	vunpack.i.u.bf16.f32 v19;
	v12 =	vadd.f32 v12, v18;
	v18 =	vld [tilespmem:s29+$0x30]  }
0xa0: {  	v20 =	vunpack.i.u.bf16.f32 v9;
	v9 =	vunpack.i.l.bf16.f32 v9;
	v8 =	vadd.f32 v8, v14;
	v14 =	vld [tilespmem:s28+$0x30]  }
0xa1: {  	v19 =	vunpack.i.l.bf16.f32 v19;
	v16 =	vadd.f32 v16, v17;
	v9 =	vadd.f32 v9, v20  }
0xa2: {  	v17 =	vadd.f32 v19, v60;
	v19 =	vunpack.i.u.bf16.f32 v23;
	v20 =	vperm.xlane v8, v2  }
0xa3: {  	v13 =	vmul.bf16 v13, v58;
	v9 =	vadd.f32 v9, v12;
	v12 =	vunpack.i.l.bf16.f32 v23  }
0xa4: {  	v4 =	vmul.bf16 v4, v59;
	v12 =	vadd.f32 v12, v19;
	v8 =	vadd.f32 v8, v20  }
0xa5: {  	v20 =	vunpack.i.u.bf16.f32 v13;
	v13 =	vunpack.i.l.bf16.f32 v13;
	v14 =	vmul.bf16 v18, v14  }
0xa6: {  	v9 =	vadd.f32 v9, v16;
	v18 =	vunpack.i.u.bf16.f32 v4;
	v4 =	vunpack.i.l.bf16.f32 v4  }
0xa7: {  	v4 =	vadd.f32 v4, v18;
	v19 =	vunpack.i.u.bf16.f32 v14;
	v14 =	vunpack.i.l.bf16.f32 v14  }
0xa8: {  	v22 =	vmov s0;
	v13 =	vadd.f32 v13, v20;
	v14 =	vadd.f32 v14, v19  }
0xa9: {  	v5 =	vbroadcast v5, $0x0;
	v12 =	vadd.f32 v12, v17;
	v4 =	vadd.f32 v7, v4  }
0xaa: {  	v18 =	vperm.xlane v6, v2;
	v7 =	vperm.xlane v8, v3;
	v13 =	vadd.f32 v14, v13  }
0xab: {  	v19 =	vperm.xlane v10, v3;
	v14 =	vand.u32 $0xFFFFFFFD, v21;
	v4 =	vadd.f32 v11, v4  }
0xac: {  	s3 =	sadd.s32 $0x3, s26;
	v7 =	vadd.f32 v8, v7;
	v8 =	vperm.xlane v9, v0;
	v11 =	vadd.f32 v13, v12  }
0xad: {  	v16 =	vmov s3;
	v12 =	vbroadcast v14, $0x0;
	v14 =	vperm.xlane v4, v0  }
0xae: {  	v6 =	vadd.f32 v6, v18;
	v8 =	vadd.f32 v9, v8;
	v9 =	vperm.xlane v11, v0  }
0xaf: {  	v10 =	vadd.f32 v10, v19;
	v13 =	vand.u32 $0xFFFFFFFE, v22;
	v4 =	vadd.f32 v4, v14  }
0xb0: {  	v13 =	vbroadcast v13, $0x0;
	v17 =	vperm.xlane v8, v1;
	v9 =	vadd.f32 v11, v9  }
0xb1: {  	v19 =	vmov s26;
	v14 =	vperm.xlane v15, v3;
	v18 =	vperm.xlane v4, v1  }
0xb2: {  	v11 =	vperm.xlane v6, v3;
	v8 =	vadd.f32 v8, v17;
	v17 =	vperm.xlane v9, v1  }
0xb3: {  	s3 =	sadd.s32 $0x1, s26;
	v14 =	vadd.f32 v15, v14;
	v15 =	vand.u32 $0xFFFFFFFC, v19;
	v4 =	vadd.f32 v4, v18  }
0xb4: {  	s26 =	sadd.s32 $0x2, s26;
	v18 =	vmov s3;
	v19 =	vperm.xlane v8, v2;
	v9 =	vadd.f32 v9, v17  }
0xb5: {  	v18 =	vand.u32 $0xFFFFFFFD, v18;
	v17 =	vmov s26;
	v20 =	vperm.xlane v4, v2  }
0xb6: {  	v8 =	vadd.f32 v8, v19;
	v18 =	vbroadcast v18, $0x0;
	v19 =	vperm.xlane v9, v2  }
0xb7: {  	v15 =	vbroadcast v15, $0x0;
	v17 =	vand.u32 $0xFFFFFFFE, v17;
	v4 =	vadd.f32 v4, v20  }
0xb8: {  	[tilespmem:v16+s19+$0x0] =	vst.idx.msk $0x1, v7;
	v7 =	vperm.xlane v8, v3;
	v16 =	vbroadcast v17, $0x0;
	v9 =	vadd.f32 v9, v19  }
0xb9: {  	[tilespmem:v12+s19+$0x0] =	vst.idx.msk $0x1, v10;
	v6 =	vadd.f32 v6, v11;
	v10 =	vperm.xlane v4, v3  }
0xba: {  	[tilespmem:v5+s19+$0x0] =	vst.idx.msk $0x1, v14;
	s26 =	smul.u32 $0xA0, s25;
	v5 =	vadd.f32 v8, v7;
	v7 =	vperm.xlane v9, v3  }
0xbb: {  	[tilespmem:v13+s19+$0x0] =	vst.idx.msk $0x1, v6;
	v4 =	vadd.f32 v4, v10  }
0xbc: {  	s3 =	sadd.s32 s4, s26;
	[tilespmem:v18+s19+$0x0] =	vst.idx.msk $0x1, v5;
	v5 =	vadd.f32 v9, v7  }
0xbd: {  	s0 =	sshrl.u32 s3, $0x3;
	[tilespmem:v15+s19+$0x0] =	vst.idx.msk $0x1, v4  }
0xbe: {  	p1 =	seq.s32 s25, $0x7C;
	s0 =	sadd.s32 s5, s0;
	[tilespmem:v16+s19+$0x0] =	vst.idx.msk $0x1, v5  }
0xbf: {  	[hbm4b:s0+s2] =	stream.linear.scatter [tilespmem:s19], [sflag:$0x3], $0x50, $0x38;
	[tilespmem:$0xECE0] =	vst v63  }
0xc0: {  	s28 =	simm.s32 @!p1 $0x9C40;
	s3 =	simm.s32 @!p1 $0x50;
	s0 =	sadd.s32 @!p1 $0xA0, s26  }
0xc1: {  	[tilespmem:s28], [sflag:$0x1] =	stream.indirect.gather @!p1 [hbm4b:s1+s3], $0x40, s0, s3, $0xb8;
	[tilespmem:$0xECE0] =	vst v63  }
0xc2: {  	s0 =	sadd.s32 @!p1 $0x4EC0, s26;
	s28 =	simm.s32 @!p1 $0xC440  }
0xc3: {  	[tilespmem:s28], [sflag:$0x1] =	stream.indirect.gather @!p1 [hbm4b:s1+s3], $0x40, s0, s3, $0xb8;
	[tilespmem:$0xECE0] =	vst v63  }
0xc4: {  	_ =	swait.ge [sflag:s20], $0x1400  }
0xc5: {  	[sflag:s20] =	ssyncset.done $0x0  }
0xc6: {  	[sflag:s20] =	ssyncadd.s32 $0xFFFFEC00  }
0xc7: {  	_ =	swait.ge [sflag:s20], $0x1400  }
0xc8: {  	[sflag:s20] =	ssyncset.done $0x0  }
0xc9: {  	s0 =	simm.s32 @!p0 $0x4;
	[sflag:s20] =	ssyncadd.s32 $0xFFFFEC00  }
0xca: {  	_ =	swait.ge @!p0 [sflag:s0], $0x50  }
0xcb: {  	[sflag:s0] =	ssyncset.done @!p0 $0x0  }
0xcc: {  	[sflag:s0] =	ssyncadd.s32 @!p0 $0xFFFFFFB0;
	s0 =	simm.s32 $0xB130  }
0xcd: {  	s28 =	simm.s32 $0xD930;
	v4 =	vld [tilespmem:s0+$0xFFFFFFD0]  }
0xce: {  	v5 =	vld [tilespmem:s28+$0xFFFFFFD0]  }
0xcf: {  	v6 =	vld [tilespmem:s0+$0xFFFFFFE0]  }
0xd0: {  	v7 =	vld [tilespmem:s28+$0xFFFFFFE0]  }
0xd1: {  	v8 =	vld [tilespmem:s0+$0xFFFFFFF0]  }
0xd2: {  	v9 =	vld [tilespmem:s28+$0xFFFFFFF0]  }
0xd3: {  	v10 =	vld [tilespmem:s0+$0x0]  }
0xd4: {  	v11 =	vld [tilespmem:s28+$0x0]  }
0xd5: {  	v13 =	vld [tilespmem:s0+$0xFFFFFF20]  }
0xd6: {  	v14 =	vld [tilespmem:s28+$0xFFFFFF20]  }
0xd7: {  	v17 =	vld [tilespmem:s0+$0xFFFFFF50]  }
0xd8: {  	v20 =	vld [tilespmem:s28+$0xFFFFFF50];
	_ =	sdelay $0x1  }
0xd9: {  	v12 =	vld [tilespmem:s28+$0xFFFFFF10]  }
0xda: {  	v15 =	vld [tilespmem:s0+$0xFFFFFF30];
	v4 =	vmul.bf16 v5, v4;
	v6 =	vmul.bf16 v7, v6  }
0xdb: {  	v5 =	vld [tilespmem:s28+$0xFFFFFF30];
	v8 =	vmul.bf16 v9, v8;
	v9 =	vmul.bf16 v11, v10  }
0xdc: {  	v7 =	vld [tilespmem:s0+$0xFFFFFF40];
	v13 =	vmul.bf16 v14, v13;
	v17 =	vmul.bf16 v20, v17;
	v16 =	vunpack.i.u.bf16.f32 v4  }
0xdd: {  	v10 =	vld [tilespmem:s28+$0xFFFFFF40];
	v4 =	vunpack.i.l.bf16.f32 v4;
	v11 =	vunpack.i.u.bf16.f32 v6;
	v6 =	vunpack.i.l.bf16.f32 v6  }
0xde: {  	v14 =	vld [tilespmem:s0+$0xFFFFFF70];
	v18 =	vunpack.i.u.bf16.f32 v8;
	v8 =	vunpack.i.l.bf16.f32 v8;
	v19 =	vunpack.i.u.bf16.f32 v9  }
0xdf: {  	v20 =	vld [tilespmem:s28+$0xFFFFFF90];
	v9 =	vunpack.i.l.bf16.f32 v9;
	v4 =	vadd.f32 v4, v16;
	v6 =	vadd.f32 v6, v11  }
0xe0: {  	v11 =	vld [tilespmem:s0+$0xFFFFFF60];
	v8 =	vadd.f32 v8, v18;
	v9 =	vadd.f32 v9, v19  }
0xe1: {  	v16 =	vld [tilespmem:s28+$0xFFFFFF60]  }
0xe2: {  	v18 =	vld [tilespmem:s0+$0xFFFFFF90];
	v5 =	vmul.bf16 v5, v15;
	v4 =	vadd.f32 v6, v4;
	v6 =	vadd.f32 v9, v8  }
0xe3: {  	v8 =	vld [tilespmem:s28+$0xFFFFFF70];
	v9 =	vunpack.i.u.bf16.f32 v13;
	v7 =	vmul.bf16 v10, v7;
	v13 =	vunpack.i.l.bf16.f32 v13  }
0xe4: {  	v10 =	vld [tilespmem:s0+$0xFFFFFF80];
	v13 =	vadd.f32 v13, v9;
	v15 =	vunpack.i.u.bf16.f32 v5;
	v4 =	vadd.f32 v6, v4  }
0xe5: {  	v6 =	vld [tilespmem:s28+$0xFFFFFF80];
	v5 =	vunpack.i.l.bf16.f32 v5;
	v9 =	vunpack.i.u.bf16.f32 v7;
	v7 =	vunpack.i.l.bf16.f32 v7  }
0xe6: {  	v7 =	vadd.f32 v7, v9;
	v9 =	vmul.bf16 v16, v11;
	v11 =	vld [tilespmem:s0+$0xFFFFFFA0];
	v19 =	vperm.xlane v4, v0  }
0xe7: {  	v5 =	vadd.f32 v5, v15;
	v15 =	vunpack.i.u.bf16.f32 v17;
	v16 =	vunpack.i.l.bf16.f32 v17;
	v17 =	vld [tilespmem:s28+$0xFFFFFFA0]  }
0xe8: {  	v18 =	vmul.bf16 v20, v18;
	v20 =	vld [tilespmem:s0+$0xFFFFFF10];
	v4 =	vadd.f32 v4, v19  }
0xe9: {  	v8 =	vmul.bf16 v8, v14;
	v14 =	vld [tilespmem:s0+$0xFFFFFFB0];
	v19 =	vunpack.i.u.bf16.f32 v9;
	v9 =	vunpack.i.l.bf16.f32 v9  }
0xea: {  	v15 =	vadd.f32 v16, v15;
	v9 =	vadd.f32 v9, v19;
	v19 =	vld [tilespmem:s28+$0xFFFFFFB0];
	v16 =	vperm.xlane v4, v1  }
0xeb: {  	v6 =	vmul.bf16 v6, v10;
	v10 =	vld [tilespmem:s0+$0xFFFFFFC0]  }
0xec: {  	v62 =	vunpack.i.u.bf16.f32 v8;
	v8 =	vunpack.i.l.bf16.f32 v8;
	v4 =	vadd.f32 v4, v16;
	v16 =	vld [tilespmem:s28+$0xFFFFFFC0]  }
0xed: {  	v8 =	vadd.f32 v8, v62;
	v12 =	vmul.bf16 v12, v20;
	v63 =	vunpack.i.u.bf16.f32 v6  }
0xee: {  	v6 =	vunpack.i.l.bf16.f32 v6;
	v15 =	vadd.f32 v9, v15;
	v9 =	vmul.bf16 v17, v11  }
0xef: {  	v11 =	vunpack.i.u.bf16.f32 v18;
	v17 =	vunpack.i.l.bf16.f32 v18;
	v6 =	vadd.f32 v6, v63  }
0xf0: {  	v11 =	vadd.f32 v17, v11;
	v17 =	vunpack.i.u.bf16.f32 v9;
	v14 =	vmul.bf16 v19, v14  }
0xf1: {  	v6 =	vadd.f32 v6, v8;
	v8 =	vunpack.i.l.bf16.f32 v9;
	v10 =	vmul.bf16 v16, v10  }
0xf2: {  	v8 =	vadd.f32 v8, v17;
	v9 =	vunpack.i.u.bf16.f32 v14;
	v14 =	vunpack.i.l.bf16.f32 v14  }
0xf3: {  	v14 =	vadd.f32 v14, v9;
	v16 =	vunpack.i.u.bf16.f32 v10;
	v10 =	vunpack.i.l.bf16.f32 v10  }
0xf4: {  	v9 =	vunpack.i.u.bf16.f32 v12;
	v12 =	vunpack.i.l.bf16.f32 v12;
	v10 =	vadd.f32 v10, v16  }
0xf5: {  	s30 =	simm.s32 $0xDA30;
	v6 =	vadd.f32 v6, v15;
	v12 =	vadd.f32 v12, v9  }
0xf6: {  	s29 =	simm.s32 $0xB230;
	v17 =	vld [tilespmem:s30+$0x0];
	v16 =	vadd.f32 v8, v11;
	v8 =	vperm.xlane v4, v2;
	v10 =	vadd.f32 v10, v14  }
0xf7: {  	v5 =	vadd.f32 v7, v5;
	v9 =	vld [tilespmem:s29+$0xFFFFFFD0];
	v7 =	vadd.f32 v13, v12  }
0xf8: {  	s3 =	simm.s32 $0x3;
	v11 =	vld [tilespmem:s30+$0xFFFFFFD0];
	v4 =	vadd.f32 v4, v8;
	v14 =	vperm.xlane v6, v0;
	v10 =	vadd.f32 v10, v16  }
0xf9: {  	v18 =	vmov s3;
	v13 =	vld [tilespmem:s30+$0xFFFFFFE0];
	v5 =	vadd.f32 v5, v7  }
0xfa: {  	v12 =	vld [tilespmem:s29+$0xFFFFFFF0];
	v7 =	vperm.xlane v4, v3;
	v19 =	vadd.f32 v6, v14;
	v6 =	vperm.xlane v10, v0  }
0xfb: {  	v8 =	vld [tilespmem:s29+$0xFFFFFFE0];
	v15 =	vperm.xlane v5, v0  }
0xfc: {  	s3 =	simm.s32 $0x0;
	v14 =	vld [tilespmem:s30+$0xFFFFFFF0];
	v4 =	vadd.f32 v4, v7;
	v7 =	vperm.xlane v19, v1;
	v6 =	vadd.f32 v10, v6  }
0xfd: {  	s31 =	simm.s32 $0x8;
	v16 =	vld [tilespmem:s29+$0x0];
	v15 =	vadd.f32 v5, v15;
	v5 =	vmov s3  }
0xfe: {  	s0 =	simm.s32 $0x1;
	s28 =	simm.s32 $0x4;
	s3 =	simm.s32 $0x2;
	v5 =	vand.u32 $0xFFFFFFFC, v5;
	[tilespmem:v18+s21+$0x0] =	vst.idx.msk $0x1, v4;
	v4 =	vld [tilespmem:s30+$0xFFFFFF10];
	v10 =	vadd.f32 v19, v7;
	v18 =	vperm.xlane v6, v1  }
.LBB2_5:
0xff: {  	p0 =	slt.u32 s31, $0x4C;
	v19 =	vld [tilespmem:s29+$0xFFFFFF20];
	v20 =	vperm.xlane v15, v1;
	v21 =	vmov s0;
	v7 =	vmov s3;
	s3 =	smov.u32 s28;
	s28 =	smov.u32 s31  }
0x100: {  	v9 =	vmul.bf16 v11, v9;
	v22 =	vld [tilespmem:s30+$0xFFFFFF20];
	v11 =	vperm.xlane v10, v2;
	v6 =	vadd.f32 v6, v18  }
0x101: {  	v13 =	vmul.bf16 v13, v8;
	v5 =	vbroadcast v5, $0x0;
	v18 =	vld [tilespmem:s29+$0xFFFFFF30];
	v8 =	vadd.f32 v15, v20  }
0x102: {  	v12 =	vmul.bf16 v14, v12;
	v20 =	vunpack.i.u.bf16.f32 v9;
	v15 =	vld [tilespmem:s30+$0xFFFFFF30];
	v14 =	vmul.bf16 v17, v16  }
0x103: {  	v9 =	vunpack.i.l.bf16.f32 v9;
	v17 =	vunpack.i.u.bf16.f32 v13;
	v13 =	vunpack.i.l.bf16.f32 v13;
	v16 =	vld [tilespmem:s29+$0xFFFFFF40]  }
0x104: {  	v24 =	vunpack.i.u.bf16.f32 v12;
	v12 =	vunpack.i.l.bf16.f32 v12;
	v23 =	vld [tilespmem:s30+$0xFFFFFF40];
	v25 =	vunpack.i.u.bf16.f32 v14  }
0x105: {  	v9 =	vadd.f32 v9, v20;
	v13 =	vadd.f32 v13, v17;
	v14 =	vunpack.i.l.bf16.f32 v14;
	v26 =	vld [tilespmem:s29+$0xFFFFFF50]  }
0x106: {  	v12 =	vadd.f32 v12, v24;
	v17 =	vmul.bf16 v22, v19;
	v14 =	vadd.f32 v14, v25;
	v19 =	vld [tilespmem:s30+$0xFFFFFF50]  }
0x107: {  	v10 =	vadd.f32 v10, v11;
	v20 =	vperm.xlane v8, v2;
	v15 =	vmul.bf16 v15, v18;
	v18 =	vld [tilespmem:s29+$0xFFFFFF60]  }
0x108: {  	v9 =	vadd.f32 v13, v9;
	v11 =	vunpack.i.u.bf16.f32 v17;
	v12 =	vadd.f32 v14, v12;
	v22 =	vld [tilespmem:s30+$0xFFFFFF60]  }
0x109: {  	v13 =	vunpack.i.l.bf16.f32 v17;
	v14 =	vunpack.i.u.bf16.f32 v15;
	v16 =	vmul.bf16 v23, v16;
	v17 =	vld [tilespmem:s29+$0xFFFFFF70]  }
0x10a: {  	v13 =	vadd.f32 v13, v11;
	v15 =	vunpack.i.l.bf16.f32 v15;
	v9 =	vadd.f32 v12, v9;
	v11 =	vld [tilespmem:s30+$0xFFFFFF70]  }
0x10b: {  	v12 =	vunpack.i.u.bf16.f32 v16;
	v16 =	vunpack.i.l.bf16.f32 v16;
	v19 =	vmul.bf16 v19, v26;
	v23 =	vld [tilespmem:s29+$0xFFFFFF80]  }
0x10c: {  	v14 =	vadd.f32 v15, v14;
	v12 =	vadd.f32 v16, v12;
	v15 =	vld [tilespmem:s30+$0xFFFFFF80];
	v16 =	vperm.xlane v9, v0  }
0x10d: {  	v24 =	vunpack.i.u.bf16.f32 v19;
	v19 =	vunpack.i.l.bf16.f32 v19;
	v18 =	vmul.bf16 v22, v18;
	v22 =	vld [tilespmem:s29+$0xFFFFFF90]  }
0x10e: {  	v19 =	vadd.f32 v19, v24;
	v24 =	vld [tilespmem:s30+$0xFFFFFF90];
	v9 =	vadd.f32 v9, v16;
	v16 =	vperm.xlane v6, v2  }
0x10f: {  	v25 =	vunpack.i.u.bf16.f32 v18;
	v18 =	vunpack.i.l.bf16.f32 v18;
	v11 =	vmul.bf16 v11, v17;
	v17 =	vld [tilespmem:s29+$0xFFFFFFA0]  }
0x110: {  	v12 =	vadd.f32 v12, v14;
	v14 =	vadd.f32 v18, v25;
	v18 =	vld [tilespmem:s30+$0xFFFFFFA0];
	v25 =	vperm.xlane v9, v1  }
0x111: {  	v26 =	vunpack.i.u.bf16.f32 v11;
	v11 =	vunpack.i.l.bf16.f32 v11;
	v15 =	vmul.bf16 v15, v23;
	v23 =	vld [tilespmem:s29+$0xFFFFFFB0]  }
0x112: {  	v11 =	vadd.f32 v11, v26;
	v26 =	vld [tilespmem:s30+$0xFFFFFFB0];
	v9 =	vadd.f32 v9, v25;
	v25 =	vperm.xlane v10, v3  }
0x113: {  	v27 =	vunpack.i.u.bf16.f32 v15;
	v15 =	vunpack.i.l.bf16.f32 v15;
	v22 =	vmul.bf16 v24, v22;
	v24 =	vld [tilespmem:s29+$0xFFFFFFC0]  }
0x114: {  	v14 =	vadd.f32 v14, v19;
	v15 =	vadd.f32 v15, v27;
	v19 =	vld [tilespmem:s30+$0xFFFFFFC0];
	v27 =	vperm.xlane v9, v2  }
0x115: {  	v28 =	vld [tilespmem:s29+$0xFFFFFF10];
	v29 =	vunpack.i.u.bf16.f32 v22;
	v22 =	vunpack.i.l.bf16.f32 v22;
	v17 =	vmul.bf16 v18, v17  }
0x116: {  	s0 =	sadd.s32 $0x3, s3;
	v21 =	vand.u32 $0xFFFFFFFD, v21;
	v18 =	vadd.f32 v22, v29;
	v9 =	vadd.f32 v9, v27  }
0x117: {  	v22 =	vunpack.i.u.bf16.f32 v17;
	v23 =	vmul.bf16 v26, v23;
	v26 =	vmov s0  }
0x118: {  	v11 =	vadd.f32 v15, v11;
	v15 =	vunpack.i.l.bf16.f32 v17;
	v17 =	vperm.xlane v9, v3  }
0x119: {  	v27 =	vunpack.i.u.bf16.f32 v23;
	v23 =	vunpack.i.l.bf16.f32 v23;
	v19 =	vmul.bf16 v19, v24  }
0x11a: {  	v15 =	vadd.f32 v15, v22;
	v4 =	vmul.bf16 v4, v28;
	v9 =	vadd.f32 v9, v17  }
0x11b: {  	v22 =	vadd.f32 v23, v27;
	v17 =	vunpack.i.u.bf16.f32 v19;
	v19 =	vunpack.i.l.bf16.f32 v19  }
0x11c: {  	v23 =	vunpack.i.u.bf16.f32 v4;
	v4 =	vunpack.i.l.bf16.f32 v4;
	v17 =	vadd.f32 v19, v17;
	[tilespmem:v26+s21+$0x0] =	vst.idx.msk $0x1, v9  }
0x11d: {  	s29 =	sadd.s32 $0x100, s29;
	v15 =	vadd.f32 v15, v18;
	v18 =	vbroadcast v21, $0x0;
	v4 =	vadd.f32 v4, v23  }
0x11e: {  	v7 =	vand.u32 $0xFFFFFFFE, v7;
	s30 =	sadd.s32 $0x100, s30;
	v14 =	vadd.f32 v11, v14;
	v9 =	vld [tilespmem:s29+$0xFFFFFFD0];
	v17 =	vadd.f32 v17, v22  }
0x11f: {  	v7 =	vbroadcast v7, $0x0;
	v19 =	vadd.f32 v8, v20;
	v11 =	vld [tilespmem:s30+$0xFFFFFFD0];
	v4 =	vadd.f32 v13, v4  }
0x120: {  	v20 =	vperm.xlane v14, v0;
	v8 =	vld [tilespmem:s29+$0xFFFFFFE0];
	v15 =	vadd.f32 v17, v15;
	v17 =	vadd.f32 v6, v16  }
0x121: {  	v10 =	vadd.f32 v10, v25;
	v6 =	vperm.xlane v19, v3;
	v13 =	vld [tilespmem:s30+$0xFFFFFFE0];
	v4 =	vadd.f32 v12, v4  }
.Ltmp3:
0x122: {  	v20 =	vadd.f32 v14, v20;
	v12 =	vld [tilespmem:s29+$0xFFFFFFF0];
	v21 =	vperm.xlane v15, v0;
	v22 =	vperm.xlane v17, v3;
	(pc) =	sbr.rel @p0 .LBB2_5-.Ltmp3, $4  }
0x123: {  	v19 =	vadd.f32 v19, v6;
	v14 =	vld [tilespmem:s30+$0xFFFFFFF0];
	v23 =	vperm.xlane v4, v0;
	[tilespmem:v18+s21+$0x0] =	vst.idx.msk $0x1, v10  }
0x124: {  	v10 =	vperm.xlane v20, v1;
	v16 =	vld [tilespmem:s29+$0x0];
	v6 =	vadd.f32 v15, v21;
	v21 =	vadd.f32 v17, v22  }
0x125: {  	v18 =	vmov s3;
	v17 =	vld [tilespmem:s30+$0x0];
	v15 =	vadd.f32 v4, v23;
	[tilespmem:v5+s21+$0x0] =	vst.idx.msk $0x1, v19  }
0x126: {  	s31 =	sadd.s32 $0x4, s31;
	s0 =	sadd.s32 $0x1, s3;
	s3 =	sadd.s32 $0x2, s3;
	v5 =	vand.u32 $0xFFFFFFFC, v18;
	v10 =	vadd.f32 v20, v10;
	v4 =	vld [tilespmem:s30+$0xFFFFFF10];
	v18 =	vperm.xlane v6, v1;
	[tilespmem:v7+s21+$0x0] =	vst.idx.msk $0x1, v21  }
0x127: {  	v7 =	vld [tilespmem:s29+$0xFFFFFF20]  }
0x128: {  	v19 =	vld [tilespmem:s30+$0xFFFFFF20]  }
0x129: {  	v63 =	vld [tilespmem:s29+$0xFFFFFF30]  }
0x12a: {  	v30 =	vld [tilespmem:s30+$0xFFFFFF30]  }
0x12b: {  	v32 =	vld [tilespmem:s29+$0xFFFFFF40]  }
0x12c: {  	v24 =	vld [tilespmem:s30+$0xFFFFFF40]  }
0x12d: {  	v27 =	vld [tilespmem:s29+$0xFFFFFF50]  }
0x12e: {  	v34 =	vld [tilespmem:s30+$0xFFFFFF50]  }
0x12f: {  	v36 =	vld [tilespmem:s29+$0xFFFFFF60]  }
0x130: {  	v37 =	vld [tilespmem:s30+$0xFFFFFF60]  }
0x131: {  	v42 =	vld [tilespmem:s29+$0xFFFFFF80]  }
0x132: {  	v44 =	vld [tilespmem:s30+$0xFFFFFF80]  }
0x133: {  	v20 =	vperm.xlane v15, v1;
	v9 =	vmul.bf16 v11, v9;
	v21 =	vmov s0;
	v47 =	vld [tilespmem:s29+$0xFFFFFF90]  }
0x134: {  	v22 =	vmov s3;
	v8 =	vmul.bf16 v13, v8;
	v5 =	vbroadcast v5, $0x0;
	v48 =	vld [tilespmem:s30+$0xFFFFFF90]  }
0x135: {  	v50 =	vld [tilespmem:s29+$0xFFFFFFA0];
	v12 =	vmul.bf16 v14, v12;
	v35 =	vperm.xlane v10, v2;
	v6 =	vadd.f32 v6, v18  }
0x136: {  	v52 =	vld [tilespmem:s30+$0xFFFFFFA0];
	v23 =	vunpack.i.u.bf16.f32 v9;
	v9 =	vunpack.i.l.bf16.f32 v9;
	v33 =	vunpack.i.u.bf16.f32 v8  }
0x137: {  	v54 =	vld [tilespmem:s29+$0xFFFFFFB0];
	v8 =	vunpack.i.l.bf16.f32 v8;
	v15 =	vadd.f32 v15, v20;
	v31 =	vmul.bf16 v17, v16  }
0x138: {  	v56 =	vld [tilespmem:s30+$0xFFFFFFB0];
	v25 =	vunpack.i.u.bf16.f32 v12;
	v12 =	vunpack.i.l.bf16.f32 v12;
	v9 =	vadd.f32 v9, v23  }
0x139: {  	v60 =	vld [tilespmem:s29+$0xFFFFFF10];
	v8 =	vadd.f32 v8, v33;
	v10 =	vadd.f32 v10, v35;
	v7 =	vmul.bf16 v19, v7  }
0x13a: {  	v12 =	vadd.f32 v12, v25;
	v11 =	vmul.bf16 v30, v63;
	v16 =	vmul.bf16 v24, v32  }
0x13b: {  	v26 =	vunpack.i.u.bf16.f32 v31;
	v17 =	vmul.bf16 v34, v27;
	v18 =	vmul.bf16 v37, v36  }
0x13c: {  	v8 =	vadd.f32 v8, v9;
	v9 =	vmul.bf16 v44, v42;
	v19 =	vmul.bf16 v48, v47  }
0x13d: {  	v14 =	vunpack.i.l.bf16.f32 v31;
	v23 =	vmul.bf16 v52, v50;
	v30 =	vperm.xlane v15, v2  }
0x13e: {  	v13 =	vmul.bf16 v56, v54;
	v4 =	vmul.bf16 v4, v60;
	v14 =	vadd.f32 v14, v26  }
0x13f: {  	v40 =	vunpack.i.u.bf16.f32 v7;
	v7 =	vunpack.i.l.bf16.f32 v7;
	v43 =	vunpack.i.u.bf16.f32 v11  }
0x140: {  	v11 =	vunpack.i.l.bf16.f32 v11;
	v45 =	vunpack.i.u.bf16.f32 v16;
	v16 =	vunpack.i.l.bf16.f32 v16  }
0x141: {  	v49 =	vunpack.i.u.bf16.f32 v17;
	v17 =	vunpack.i.l.bf16.f32 v17;
	v51 =	vunpack.i.u.bf16.f32 v18  }
0x142: {  	v39 =	vld [tilespmem:s29+$0xFFFFFF70];
	v18 =	vunpack.i.l.bf16.f32 v18;
	v59 =	vunpack.i.u.bf16.f32 v9;
	v9 =	vunpack.i.l.bf16.f32 v9  }
0x143: {  	v41 =	vld [tilespmem:s30+$0xFFFFFF70];
	v63 =	vunpack.i.u.bf16.f32 v19;
	v19 =	vunpack.i.l.bf16.f32 v19;
	v38 =	vadd.f32 v14, v12  }
0x144: {  	v58 =	vld [tilespmem:s29+$0xFFFFFFC0];
	v32 =	vunpack.i.u.bf16.f32 v23;
	v34 =	vunpack.i.u.bf16.f32 v13;
	v15 =	vadd.f32 v15, v30  }
0x145: {  	v61 =	vld [tilespmem:s30+$0xFFFFFFC0];
	v13 =	vunpack.i.l.bf16.f32 v13;
	v7 =	vadd.f32 v7, v40;
	v8 =	vadd.f32 v38, v8  }
0x146: {  	v35 =	vunpack.i.u.bf16.f32 v4;
	v11 =	vadd.f32 v11, v43;
	v16 =	vadd.f32 v16, v45  }
0x147: {  	v17 =	vadd.f32 v17, v49;
	v55 =	vadd.f32 v18, v51;
	v46 =	vperm.xlane v8, v0  }
0x148: {  	v4 =	vunpack.i.l.bf16.f32 v4;
	v9 =	vadd.f32 v9, v59;
	v31 =	vadd.f32 v19, v63  }
0x149: {  	v12 =	vmul.bf16 v41, v39;
	v4 =	vadd.f32 v4, v35;
	v8 =	vadd.f32 v8, v46  }
0x14a: {  	v14 =	vmul.bf16 v61, v58;
	v13 =	vadd.f32 v13, v34;
	v11 =	vadd.f32 v16, v11  }
0x14b: {  	v57 =	vunpack.i.u.bf16.f32 v12;
	v12 =	vunpack.i.l.bf16.f32 v12;
	v53 =	vperm.xlane v8, v1  }
0x14c: {  	v36 =	vunpack.i.u.bf16.f32 v14;
	v14 =	vunpack.i.l.bf16.f32 v14;
	v12 =	vadd.f32 v12, v57  }
0x14d: {  	v33 =	vunpack.i.l.bf16.f32 v23;
	v14 =	vadd.f32 v14, v36;
	v8 =	vadd.f32 v8, v53  }
0x14e: {  	v37 =	vperm.xlane v6, v2;
	v9 =	vadd.f32 v9, v12;
	v12 =	vadd.f32 v33, v32  }
0x14f: {  	v16 =	vadd.f32 v55, v17;
	v4 =	vadd.f32 v7, v4;
	v62 =	vperm.xlane v8, v2  }
0x150: {  	v52 =	vmov s28;
	v13 =	vadd.f32 v14, v13;
	v12 =	vadd.f32 v12, v31  }
0x151: {  	v54 =	vand.u32 $0xFFFFFFFC, v52;
	v9 =	vadd.f32 v9, v16;
	v8 =	vadd.f32 v8, v62  }
0x152: {  	v6 =	vadd.f32 v6, v37;
	v40 =	vand.u32 $0xFFFFFFFD, v21;
	v4 =	vadd.f32 v11, v4  }
0x153: {  	s3 =	sadd.s32 $0x3, s28;
	v42 =	vperm.xlane v9, v0;
	v43 =	vadd.f32 v13, v12;
	v39 =	vperm.xlane v8, v3  }
0x154: {  	v41 =	vmov s3;
	v45 =	vand.u32 $0xFFFFFFFE, v22;
	v46 =	vperm.xlane v4, v0  }
0x155: {  	v47 =	vperm.xlane v43, v0;
	v7 =	vadd.f32 v8, v39;
	v8 =	vadd.f32 v9, v42  }
0x156: {  	v44 =	vbroadcast v40, $0x0;
	v48 =	vperm.xlane v15, v3;
	v4 =	vadd.f32 v4, v46  }
0x157: {  	s29 =	sadd.s32 $0x1, s28;
	v50 =	vperm.xlane v6, v3;
	v9 =	vadd.f32 v43, v47;
	v49 =	vperm.xlane v8, v1  }
0x158: {  	s30 =	sadd.s32 $0x2, s28;
	v38 =	vperm.xlane v10, v3;
	v55 =	vmov s29;
	v51 =	vperm.xlane v4, v1  }
0x159: {  	v57 =	vmov s30;
	v53 =	vperm.xlane v9, v1;
	v8 =	vadd.f32 v8, v49  }
0x15a: {  	v18 =	vand.u32 $0xFFFFFFFD, v55;
	v6 =	vadd.f32 v6, v50;
	v4 =	vadd.f32 v4, v51  }
0x15b: {  	v13 =	vbroadcast v45, $0x0;
	v9 =	vadd.f32 v9, v53;
	v56 =	vperm.xlane v8, v2  }
0x15c: {  	v10 =	vadd.f32 v10, v38;
	v18 =	vbroadcast v18, $0x0;
	v58 =	vperm.xlane v4, v2  }
0x15d: {  	v17 =	vand.u32 $0xFFFFFFFE, v57;
	v59 =	vperm.xlane v9, v2;
	v8 =	vadd.f32 v8, v56  }
0x15e: {  	v14 =	vadd.f32 v15, v48;
	v15 =	vbroadcast v54, $0x0;
	v4 =	vadd.f32 v4, v58  }
0x15f: {  	v61 =	vbroadcast v17, $0x0;
	[tilespmem:v44+s21+$0x0] =	vst.idx.msk $0x1, v10;
	v9 =	vadd.f32 v9, v59;
	v60 =	vperm.xlane v8, v3  }
0x160: {  	[tilespmem:v5+s21+$0x0] =	vst.idx.msk $0x1, v14;
	v62 =	vperm.xlane v4, v3  }
0x161: {  	[tilespmem:v13+s21+$0x0] =	vst.idx.msk $0x1, v6;
	v63 =	vperm.xlane v9, v3;
	v5 =	vadd.f32 v8, v60  }
.Ltmp4:
0x162: {  	[tilespmem:v41+s21+$0x0] =	vst.idx.msk $0x1, v7;
	v4 =	vadd.f32 v4, v62;
	(pc) =	sbr.rel @p1 .LBB2_8-.Ltmp4, $4  }
0x163: {  	s31 =	sadd.s32 s26, s8;
	[tilespmem:v18+s21+$0x0] =	vst.idx.msk $0x1, v5;
	v5 =	vadd.f32 v9, v63  }
0x164: {  	s0 =	sshrl.u32 s31, $0x3;
	[tilespmem:v15+s21+$0x0] =	vst.idx.msk $0x1, v4  }
0x165: {  	s0 =	sadd.s32 s5, s0;
	[tilespmem:v61+s21+$0x0] =	vst.idx.msk $0x1, v5  }
0x166: {  	[hbm4b:s0+s2] =	stream.linear.scatter [tilespmem:s21], [sflag:$0x4], $0x50, $0x38;
	[tilespmem:$0xECE0] =	vst v63  }
.Ltmp5:
0x167: {  	(pc) =	sbr.rel .LBB2_2-.Ltmp5, $4  }
0x168: {  	s0 =	sadd.s32 $0xF0, s26  }
0x169: {  	[tilespmem:s15], [sflag:$0x2] =	stream.indirect.gather [hbm4b:s1+s12], $0x40, s0, s12, $0xb8;
	[tilespmem:$0xECE0] =	vst v63  }
0x16a: {  	s31 =	sadd.s32 $0x4F10, s26;
	s25 =	sadd.s32 $0x1, s25  }
0x16b: {  	[tilespmem:s17], [sflag:$0x2] =	stream.indirect.gather [hbm4b:s1+s12], $0x40, s31, s12, $0xb8;
	[tilespmem:$0xECE0] =	vst v63  }
.LBB2_9:
0x16c: {  	_ =	sfence.sel $0x180000  }
0x16d: {  	[bflag:$0x0] =	sbarrier.arrive $0xFFFF  }
0x16e: {  	_ =	strace $0x90000047  }
0x16f: {  	s0 =	stileid.u32;
	[bflag:$0x2] =	sbarrier.arrive $0xFFFF  }
0x170: {  	p0 =	sne.s32 s0, $0x0;
	s0 =	rddreg [dreg:$0x1]  }
0x171: {  	s0 =	sadd.s32 @!p0 $0x100000, s0  }
0x172: {  	[sflag:s0] =	ssyncadd.tile.s32 @!p0 $0x1;
	_ =	shalt  }
.Lfunc_end2:
_tile_overlayer_lowered:
.L_overlay_start_2:
0x173: {  	(tag) =	ssettag $0x2  }
0x174: {  	s0 =	rddreg [dreg:$0x0];
	s2 =	stileid.u32  }
0x175: {  	s1 =	rddreg [dreg:$0x1];
	p0 =	sne.s32 s2, $0x0  }
0x176: {  	s3 =	rddreg [dreg:$0x2];
	[bflag:$0x3] =	sbarrier.arrive $0xFFFF;
	s2 =	simm.s32 @!p0 $0x1C05  }
0x177: {  	[timem:s3], [sflag:s2] =	dma.local @!p0 [hbm:s0], s1  }
0x178: {  	s0 =	simm.s32 @!p0 $0x5  }
0x179: {  	_ =	swait.ge @!p0 [sflag:s0], s1  }
0x17a: {  	s1 =	ssub.s32 @!p0 $0x0, s1;
	[sflag:s0] =	ssyncset.done @!p0 $0x0  }
0x17b: {  	[sflag:s0] =	ssyncadd.s32 @!p0 s1  }
0x17c: {  	[bflag:$0x3] =	sbarrier.arrive $0xFFFF  }
0x17d: {  	_ =	shalt  }

</sc_bundles>
